<compile_context>
chip_gen: v7x
topology: tpu7x:2x2x1
jax: 0.10.2.dev20260603
libtpu: 0.0.44.dev20260713+nightly
codegen_flags: <defaults>
</compile_context>

<pallas_src>
import functools

import jax
import jax.numpy as jnp
from jax import lax
from jax.experimental import pallas as pl
from jax.experimental.pallas import tpu as pltpu
from jax.experimental.pallas import tpu_sc as plsc

_N = 10000
_E = 320000
_D = 128
_G = 128
_DOUT = 64

_NC, _NS, _L = 2, 16, 16
_NW = _NC * _NS
_K = 128
_CH = 80
_EPAD = _NW * _CH * _K
_NPAD = 10240
_RPT = _NPAD // _NS
_R = 1024
_NBLK = _NPAD // _R
_DUMMY = _NPAD - 1

@functools.cache
def _mesh():
    return plsc.VectorSubcoreMesh(
        core_axis_name="c", subcore_axis_name="s",
        num_cores=_NC, num_subcores=_NS)



_NB = 2

def _sc_degree_body(dst_hbm, ones_hbm, zd_hbm, deg_hbm, dst_v, ones_v, acc):
    c = lax.axis_index("c")
    s = lax.axis_index("s")
    wid = s * _NC + c
    pltpu.sync_copy(zd_hbm, acc.at[pl.ds(s * _RPT, _RPT)])
    pltpu.sync_copy(ones_hbm, ones_v)
    pltpu.sync_copy(dst_hbm.at[wid], dst_v)
    plsc.subcore_barrier()

    def chunk(j, carry):
        pltpu.sync_copy(ones_v, acc.at[dst_v.at[j]], add=True)
        return carry

    lax.fori_loop(0, _CH, chunk, 0)
    plsc.subcore_barrier()
    pltpu.sync_copy(acc.at[pl.ds(s * _RPT, _RPT)],
                    deg_hbm.at[c, pl.ds(s * _RPT, _RPT)])


def _sc_degree(dst3, ones16, zd):
    return pl.kernel(
        _sc_degree_body,
        out_type=jax.ShapeDtypeStruct((_NC, _NPAD, _D), jnp.float32),
        mesh=_mesh(),
        scratch_types=(
            [pltpu.VMEM((_CH, _K), jnp.int32),
             pltpu.VMEM((_K, _D), jnp.float32),
             pltpu.VMEM_SHARED((_NPAD, _D), jnp.float32)]
        ),
    )(dst3, ones16, zd)


def _sc_scatter_body(u_hbm, src_hbm, dst_hbm, z2_hbm, out_hbm, *rest):
    srcb = rest[0:2]
    rows = rest[2:4]
    dst_v = rest[4]
    acc = rest[5]
    isem = rest[6:8]
    gsem = rest[8:10]
    c = lax.axis_index("c")
    s = lax.axis_index("s")
    wid = s * _NC + c
    pltpu.sync_copy(z2_hbm, acc.at[pl.ds(s * _RPT, _RPT)])
    pltpu.sync_copy(dst_hbm.at[wid], dst_v)
    for b in range(2):
        pltpu.async_copy(src_hbm.at[wid, pl.ds(b, 1)], srcb[b], isem[b])
    plsc.subcore_barrier()

    def _iwait(b):
        pltpu.make_async_copy(src_hbm.at[wid, pl.ds(0, 1)], srcb[b],
                              isem[b]).wait()

    def _gwait(b):
        pltpu.make_async_copy(u_hbm.at[pl.ds(0, _K)], rows[b],
                              gsem[b]).wait()

    _iwait(0)
    pltpu.async_copy(u_hbm.at[srcb[0].at[0]], rows[0], gsem[0])

    def mega(m, carry):
        j0 = m * 2
        for b in range(2):
            bn = 1 - b
            _iwait(bn)
            pltpu.async_copy(u_hbm.at[srcb[bn].at[0]], rows[bn], gsem[bn])
            _gwait(b)
            pltpu.sync_copy(rows[b], acc.at[dst_v.at[j0 + b]], add=True)
            jf = jnp.minimum(j0 + b + 2, _CH - 1)
            pltpu.async_copy(src_hbm.at[wid, pl.ds(jf, 1)], srcb[b], isem[b])
        return carry

    lax.fori_loop(0, _CH // 2, mega, 0)
    _gwait(0)
    _iwait(1)
    plsc.subcore_barrier()
    pltpu.sync_copy(acc.at[pl.ds(s * _RPT, _RPT)],
                    out_hbm.at[c, pl.ds(s * _RPT, _RPT)])


def _sc_scatter(u, src3, dst3, z2):
    return pl.kernel(
        _sc_scatter_body,
        out_type=jax.ShapeDtypeStruct((_NC, _NPAD, _D), jnp.float32),
        mesh=_mesh(),
        scratch_types=(
            [pltpu.VMEM((1, _K), jnp.int32)] * 2
            + [pltpu.VMEM((_K, _D), jnp.float32)] * 2
            + [pltpu.VMEM((_CH, _K), jnp.int32)]
            + [pltpu.VMEM_SHARED((_NPAD, _D), jnp.float32)]
            + [pltpu.SemaphoreType.DMA] * 4
        ),
    )(u, src3, dst3, z2)



def _dinv_of(degp_ref):
    sv = degp_ref[...]
    deg = sv[0, :, 0:1] + sv[1, :, 0:1] + 1.0
    return lax.rsqrt(deg)


def _tc_h1_body(x_ref, w_ref, o_ref):
    o_ref[...] = jnp.dot(x_ref[...], w_ref[...],
                         preferred_element_type=jnp.float32)


def _tc_h1(x_pad, W1):
    return pl.pallas_call(
        _tc_h1_body,
        grid=(_NBLK,),
        in_specs=[
            pl.BlockSpec((_R, _D), lambda i: (i, 0)),
            pl.BlockSpec((_D, _D), lambda i: (0, 0)),
        ],
        out_specs=pl.BlockSpec((_R, _D), lambda i: (i, 0)),
        out_shape=jax.ShapeDtypeStruct((_NPAD, _D), jnp.float32),
    )(x_pad, W1)


def _tc_u1_body(degt_ref, h_ref, o_ref):
    dinv = _dinv_of(degt_ref)
    o_ref[...] = dinv * h_ref[...]


def _tc_u1(degp, h1):
    return pl.pallas_call(
        _tc_u1_body,
        grid=(_NBLK,),
        in_specs=[
            pl.BlockSpec((_NC, _R, _D), lambda i: (0, i, 0)),
            pl.BlockSpec((_R, _D), lambda i: (i, 0)),
        ],
        out_specs=pl.BlockSpec((_R, _D), lambda i: (i, 0)),
        out_shape=jax.ShapeDtypeStruct((_NPAD, _D), jnp.float32),
    )(degp, h1)


def _tc_mid_body(degt_ref, s_ref, u_ref, b_ref, w_ref, o_ref):
    i = pl.program_id(0)
    dinv = _dinv_of(degt_ref)
    sv = s_ref[...]
    agg = dinv * (sv[0] + sv[1] + u_ref[...]) + b_ref[...]
    h = jnp.maximum(agg, 0.0)
    rows = lax.broadcasted_iota(jnp.int32, (_R, 1), 0) + i * _R
    h = jnp.where(rows < _N, h, 0.0)
    o_ref[...] = dinv * jnp.dot(h, w_ref[...],
                                preferred_element_type=jnp.float32)


def _tc_mid(degp, s1, u1, b1r, W2):
    return pl.pallas_call(
        _tc_mid_body,
        grid=(_NBLK,),
        in_specs=[
            pl.BlockSpec((_NC, _R, _D), lambda i: (0, i, 0)),
            pl.BlockSpec((_NC, _R, _D), lambda i: (0, i, 0)),
            pl.BlockSpec((_R, _D), lambda i: (i, 0)),
            pl.BlockSpec((1, _D), lambda i: (0, 0)),
            pl.BlockSpec((_D, _D), lambda i: (0, 0)),
        ],
        out_specs=pl.BlockSpec((_R, _D), lambda i: (i, 0)),
        out_shape=jax.ShapeDtypeStruct((_NPAD, _D), jnp.float32),
    )(degp, s1, u1, b1r, W2)


def _tc_final_body(degt_ref, s_ref, u_ref, b_ref, batch_ref, wl_ref, bl_ref,
                   o_ref, pool_acc, cnt_acc):
    i = pl.program_id(0)
    dinv = _dinv_of(degt_ref)
    sv = s_ref[...]
    h2 = dinv * (sv[0] + sv[1] + u_ref[...]) + b_ref[...]
    bt = batch_ref[0]
    gids = lax.broadcasted_iota(jnp.int32, (_G, _R), 0)
    oh = (gids == bt).astype(jnp.float32)

    @pl.when(i == 0)
    def _():
        pool_acc[...] = jnp.zeros_like(pool_acc)
        cnt_acc[...] = jnp.zeros_like(cnt_acc)

    pool_acc[...] += jnp.dot(oh, h2, preferred_element_type=jnp.float32)
    cnt_acc[...] += jnp.dot(oh, jnp.ones((_R, _D), jnp.float32),
                            preferred_element_type=jnp.float32)

    @pl.when(i == _NBLK - 1)
    def _():
        pooled = pool_acc[...] / jnp.maximum(cnt_acc[...], 1.0)
        o_ref[...] = jnp.maximum(
            jnp.dot(pooled, wl_ref[...],
                    preferred_element_type=jnp.float32) + bl_ref[...], 0.0)


def _tc_final(degp, s2, u2, b2r, batch3, Wl, blr):
    return pl.pallas_call(
        _tc_final_body,
        grid=(_NBLK,),
        in_specs=[
            pl.BlockSpec((_NC, _R, _D), lambda i: (0, i, 0)),
            pl.BlockSpec((_NC, _R, _D), lambda i: (0, i, 0)),
            pl.BlockSpec((_R, _D), lambda i: (i, 0)),
            pl.BlockSpec((1, _D), lambda i: (0, 0)),
            pl.BlockSpec((1, 1, _R), lambda i: (i, 0, 0)),
            pl.BlockSpec((_D, _DOUT), lambda i: (0, 0)),
            pl.BlockSpec((1, _DOUT), lambda i: (0, 0)),
        ],
        out_specs=pl.BlockSpec((_G, _DOUT), lambda i: (0, 0)),
        out_shape=jax.ShapeDtypeStruct((_G, _DOUT), jnp.float32),
        scratch_shapes=[
            pltpu.VMEM((_G, _D), jnp.float32),
            pltpu.VMEM((_G, _D), jnp.float32),
        ],
    )(degp, s2, u2, b2r, batch3, Wl, blr)



def kernel(x, edge_index, batch, W1, b1, W2, b2, Wl, bl):
    f32 = jnp.float32
    src = edge_index[0].astype(jnp.int32)
    dst = edge_index[1].astype(jnp.int32)
    pad_e = jnp.full((_EPAD - _E,), _DUMMY, jnp.int32)
    src3 = jnp.concatenate([src, pad_e]).reshape(_NW, _CH, _K)
    dst3 = jnp.concatenate([dst, pad_e]).reshape(_NW, _CH, _K)
    x_pad = jnp.zeros((_NPAD, _D), f32).at[:_N].set(x)
    batch3 = jnp.concatenate(
        [batch.astype(jnp.int32), jnp.full((_NPAD - _N,), -1, jnp.int32)]
    ).reshape(_NBLK, 1, _R)
    ones16 = jnp.ones((_K, _D), f32)
    z2 = jnp.zeros((_RPT, _D), f32)
    zd = z2
    b1r = b1.reshape(1, _D)
    b2r = b2.reshape(1, _D)
    blr = bl.reshape(1, _DOUT)

    degp = _sc_degree(dst3, ones16, zd)
    h1 = _tc_h1(x_pad, W1)
    u1 = _tc_u1(degp, h1)
    s1 = _sc_scatter(u1, src3, dst3, z2)
    u2 = _tc_mid(degp, s1, u1, b1r, W2)
    s2 = _sc_scatter(u2, src3, dst3, z2)
    out = _tc_final(degp, s2, u2, b2r, batch3, Wl, blr)
    return out

# --- scband reference (transcript-rebuilt; emitter-appended) ---
"""Pipeline reference for scband-gcnnet-76416058131444 (READ-ONLY COPY).

The authoritative reference and input builder live on the scoring server;
editing this copy changes nothing except your own understanding.
"""

import jax, jax.numpy as jnp
import numpy as np

NUM_NODES = 10000
NUM_EDGES = 320000
D_IN = 128
D_OUT = 64
NUM_GRAPHS = 128


def setup_inputs(seed: int = 0) -> dict:
    key = jax.random.key(seed)
    k = jax.random.split(key, 10)
    x = jax.random.normal(k[0], (NUM_NODES, D_IN), dtype=jnp.float32)
    edge_index = jax.random.randint(k[1], (2, NUM_EDGES), 0, NUM_NODES, dtype=jnp.int64 if jax.config.jax_enable_x64 else jnp.int32).astype(jnp.int32)
    batch = jnp.sort(jax.random.randint(k[2], (NUM_NODES,), 0, NUM_GRAPHS)).astype(jnp.int32)
    s1 = 1.0 / np.sqrt(D_IN)
    W1 = jax.random.uniform(k[3], (D_IN, D_IN), minval=-s1, maxval=s1, dtype=jnp.float32)
    b1 = jnp.zeros((D_IN,), dtype=jnp.float32)
    W2 = jax.random.uniform(k[4], (D_IN, D_IN), minval=-s1, maxval=s1, dtype=jnp.float32)
    b2 = jnp.zeros((D_IN,), dtype=jnp.float32)
    Wl = jax.random.uniform(k[5], (D_IN, D_OUT), minval=-s1, maxval=s1, dtype=jnp.float32)
    bl = jax.random.uniform(k[6], (D_OUT,), minval=-s1, maxval=s1, dtype=jnp.float32)
    return {"x": x, "edge_index": edge_index, "batch": batch,
            "W1": W1, "b1": b1, "W2": W2, "b2": b2, "Wl": Wl, "bl": bl}


def _gcn_conv(x, src, dst, W, b, num_nodes):
    # PyG GCNConv semantics: linear transform, add self-loops, sym-normalized scatter-add
    h = x @ W
    loop = jnp.arange(num_nodes, dtype=src.dtype)
    s = jnp.concatenate([src, loop])
    d = jnp.concatenate([dst, loop])
    deg = jax.ops.segment_sum(jnp.ones_like(d, dtype=h.dtype), d, num_segments=num_nodes)
    dinv = jnp.where(deg > 0, jax.lax.rsqrt(deg), 0.0)
    norm = dinv[s] * dinv[d]
    msgs = h[s] * norm[:, None]
    out = jax.ops.segment_sum(msgs, d, num_segments=num_nodes)
    return out + b


def reference(x, edge_index, batch, W1, b1, W2, b2, Wl, bl):
    src = edge_index[0]
    dst = edge_index[1]
    h = jax.nn.relu(_gcn_conv(x, src, dst, W1, b1, NUM_NODES))  # dropout is identity in eval
    h = _gcn_conv(h, src, dst, W2, b2, NUM_NODES)
    # global_mean_pool
    sums = jax.ops.segment_sum(h, batch, num_segments=NUM_GRAPHS)
    counts = jax.ops.segment_sum(jnp.ones((h.shape[0],), dtype=h.dtype), batch, num_segments=NUM_GRAPHS)
    pooled = sums / jnp.clip(counts, 1.0, None)[:, None]
    out = jax.nn.relu(pooled @ Wl + bl)
    return out

if __name__ == "__main__":
    import jax
    _d = setup_inputs()
    print(jax.jit(kernel)(*tuple(_d.values())))

</pallas_src>

<mosaic_0001>
#map = affine_map<(d0, d1) -> (0, 0, 0)>
#map1 = affine_map<(d0, d1) -> (0, 0)>
module attributes {stable_mosaic.version = 14 : i64} {
  func.func @_sc_degree_body(%arg0: i32, %arg1: i32, %arg2: memref<32x80x128xi32, #tpu.memory_space<hbm>>, %arg3: memref<128x128xf32, #tpu.memory_space<hbm>>, %arg4: memref<640x128xf32, #tpu.memory_space<hbm>>, %arg5: memref<2x10240x128xf32, #tpu.memory_space<hbm>>, %arg6: memref<80x128xi32, #tpu.memory_space<vmem>>, %arg7: memref<128x128xf32, #tpu.memory_space<vmem>>, %arg8: memref<10240x128xf32, #tpu.memory_space<vmem_shared>>) attributes {dimension_semantics = [#tpu.dimension_semantics<core_parallel>, #tpu.dimension_semantics<subcore_parallel>], iteration_bounds = array<i64: 2, 16>, scalar_prefetch = 0 : i64, scratch_operands = 3 : i64, tpu.core_type = #tpu.core_type<sc_vector_subcore>, window_params = [{transform_indices = #map}, {transform_indices = #map1}, {transform_indices = #map1}, {transform_indices = #map}]} {
    %mul3A = arith.constant 2 : i32
    %mul3A_0 = arith.muli %arg1, %mul3A : i32
    %add3A = arith.addi %mul3A_0, %arg0 : i32
    %mul3A_1 = arith.constant 640 : i32
    %mul3A_2 = arith.muli %arg1, %mul3A_1 : i32
    "tpu.region"() ({
      %run_scoped3A = tpu.sem_alloc : memref<!tpu.dma_semaphore, #tpu.memory_space<semaphore_mem>>
      %dma_start3A = arith.constant 0 : i32
      %dma_start3A_13 = tpu.memref_slice %arg8[%mul3A_2, %dma_start3A] : memref<10240x128xf32, #tpu.memory_space<vmem_shared>> -> memref<640x128xf32, #tpu.memory_space<vmem_shared>>
      tpu.enqueue_dma source(%arg4 : memref<640x128xf32, #tpu.memory_space<hbm>>) target(%dma_start3A_13 : memref<640x128xf32, #tpu.memory_space<vmem_shared>>) target_semaphore(%run_scoped3A : memref<!tpu.dma_semaphore, #tpu.memory_space<semaphore_mem>>)
      %dma_wait3A = arith.constant 0 : i32
      %dma_wait3A_14 = tpu.memref_slice %arg8[%mul3A_2, %dma_wait3A] : memref<10240x128xf32, #tpu.memory_space<vmem_shared>> -> memref<640x128xf32, #tpu.memory_space<vmem_shared>>
      tpu.wait_dma2 semaphore(%run_scoped3A : memref<!tpu.dma_semaphore, #tpu.memory_space<semaphore_mem>>) src(%arg4 : memref<640x128xf32, #tpu.memory_space<hbm>>) dst(%dma_wait3A_14 : memref<640x128xf32, #tpu.memory_space<vmem_shared>>)
      tpu.yield
    }) : () -> ()
    "tpu.region"() ({
      %run_scoped3A = tpu.sem_alloc : memref<!tpu.dma_semaphore, #tpu.memory_space<semaphore_mem>>
      tpu.enqueue_dma source(%arg3 : memref<128x128xf32, #tpu.memory_space<hbm>>) target(%arg7 : memref<128x128xf32, #tpu.memory_space<vmem>>) target_semaphore(%run_scoped3A : memref<!tpu.dma_semaphore, #tpu.memory_space<semaphore_mem>>)
      tpu.wait_dma2 semaphore(%run_scoped3A : memref<!tpu.dma_semaphore, #tpu.memory_space<semaphore_mem>>) src(%arg3 : memref<128x128xf32, #tpu.memory_space<hbm>>) dst(%arg7 : memref<128x128xf32, #tpu.memory_space<vmem>>)
      tpu.yield
    }) : () -> ()
    "tpu.region"() ({
      %run_scoped3A = tpu.sem_alloc : memref<!tpu.dma_semaphore, #tpu.memory_space<semaphore_mem>>
      %dma_start3A = arith.constant 0 : i32
      %dma_start3A_13 = arith.constant 0 : i32
      %dma_start3A_14 = tpu.memref_slice %arg2[%add3A, %dma_start3A, %dma_start3A_13] : memref<32x80x128xi32, #tpu.memory_space<hbm>> -> memref<1x80x128xi32, #tpu.memory_space<hbm>>
      %dma_start3A_15 = tpu.memref_squeeze %dma_start3A_14 : memref<1x80x128xi32, #tpu.memory_space<hbm>> -> memref<80x128xi32, #tpu.memory_space<hbm>>
      %dma_start3A_16 = arith.constant 0 : i32
      %dma_start3A_17 = arith.constant 0 : i32
      %dma_start3A_18 = tpu.memref_slice %arg2[%add3A, %dma_start3A_16, %dma_start3A_17] : memref<32x80x128xi32, #tpu.memory_space<hbm>> -> memref<1x80x128xi32, #tpu.memory_space<hbm>>
      %dma_start3A_19 = tpu.memref_squeeze %dma_start3A_18 : memref<1x80x128xi32, #tpu.memory_space<hbm>> -> memref<80x128xi32, #tpu.memory_space<hbm>>
      tpu.enqueue_dma source(%dma_start3A_19 : memref<80x128xi32, #tpu.memory_space<hbm>>) target(%arg6 : memref<80x128xi32, #tpu.memory_space<vmem>>) target_semaphore(%run_scoped3A : memref<!tpu.dma_semaphore, #tpu.memory_space<semaphore_mem>>)
      %dma_wait3A = arith.constant 0 : i32
      %dma_wait3A_20 = arith.constant 0 : i32
      %dma_wait3A_21 = tpu.memref_slice %arg2[%add3A, %dma_wait3A, %dma_wait3A_20] : memref<32x80x128xi32, #tpu.memory_space<hbm>> -> memref<1x80x128xi32, #tpu.memory_space<hbm>>
      %dma_wait3A_22 = tpu.memref_squeeze %dma_wait3A_21 : memref<1x80x128xi32, #tpu.memory_space<hbm>> -> memref<80x128xi32, #tpu.memory_space<hbm>>
      %dma_wait3A_23 = arith.constant 0 : i32
      %dma_wait3A_24 = arith.constant 0 : i32
      %dma_wait3A_25 = tpu.memref_slice %arg2[%add3A, %dma_wait3A_23, %dma_wait3A_24] : memref<32x80x128xi32, #tpu.memory_space<hbm>> -> memref<1x80x128xi32, #tpu.memory_space<hbm>>
      %dma_wait3A_26 = tpu.memref_squeeze %dma_wait3A_25 : memref<1x80x128xi32, #tpu.memory_space<hbm>> -> memref<80x128xi32, #tpu.memory_space<hbm>>
      tpu.wait_dma2 semaphore(%run_scoped3A : memref<!tpu.dma_semaphore, #tpu.memory_space<semaphore_mem>>) src(%dma_wait3A_26 : memref<80x128xi32, #tpu.memory_space<hbm>>) dst(%arg6 : memref<80x128xi32, #tpu.memory_space<vmem>>)
      tpu.yield
    }) : () -> ()
    %barrier3A = arith.constant 0 : index
    tpu.barrier barrier_id(%barrier3A)
    %scan3A = arith.constant 0 : i32
    %scan3A_3 = arith.constant 0 : i32
    %scan3A_4 = arith.constant 80 : i32
    %scan3A_5 = arith.addi %scan3A_3, %scan3A_4 : i32
    %scan3A_6 = arith.constant 1 : i32
    scf.for %scan3A_13 = %scan3A_3 to %scan3A_5 step %scan3A_6  : i32 {
      "tpu.region"() ({
        %run_scoped3A = tpu.sem_alloc : memref<!tpu.dma_semaphore, #tpu.memory_space<semaphore_mem>>
        %dma_start3A = arith.constant 0 : i32
        %dma_start3A_14 = tpu.memref_slice %arg6[%scan3A_13, %dma_start3A] : memref<80x128xi32, #tpu.memory_space<vmem>> -> memref<1x128xi32, #tpu.memory_space<vmem>>
        %dma_start3A_15 = tpu.memref_squeeze %dma_start3A_14 : memref<1x128xi32, #tpu.memory_space<vmem>> -> memref<128xi32, #tpu.memory_space<vmem>>
        %dma_start3A_16 = arith.constant 0 : i32
        %dma_start3A_17 = arith.constant 0 : i32
        %dma_start3A_18 = tpu.memref_slice %arg8[%dma_start3A_16, %dma_start3A_17] : memref<10240x128xf32, #tpu.memory_space<vmem_shared>> -> memref<10240x128xf32, #tpu.memory_space<vmem_shared>>
        tpu.enqueue_indirect_dma source(%arg7 : memref<128x128xf32, #tpu.memory_space<vmem>>) target(%dma_start3A_18 : memref<10240x128xf32, #tpu.memory_space<vmem_shared>>) offsets(%dma_start3A_15 : memref<128xi32, #tpu.memory_space<vmem>>) semaphore(%run_scoped3A : memref<!tpu.dma_semaphore, #tpu.memory_space<semaphore_mem>>) {add = true}
        %dma_wait3A = arith.constant 0 : i32
        %dma_wait3A_19 = tpu.memref_slice %arg6[%scan3A_13, %dma_wait3A] : memref<80x128xi32, #tpu.memory_space<vmem>> -> memref<1x128xi32, #tpu.memory_space<vmem>>
        %dma_wait3A_20 = tpu.memref_squeeze %dma_wait3A_19 : memref<1x128xi32, #tpu.memory_space<vmem>> -> memref<128xi32, #tpu.memory_space<vmem>>
        %dma_wait3A_21 = arith.constant 0 : i32
        %dma_wait3A_22 = arith.constant 0 : i32
        %dma_wait3A_23 = tpu.memref_slice %arg8[%dma_wait3A_21, %dma_wait3A_22] : memref<10240x128xf32, #tpu.memory_space<vmem_shared>> -> memref<10240x128xf32, #tpu.memory_space<vmem_shared>>
        tpu.wait_indirect_dma semaphore(%run_scoped3A : memref<!tpu.dma_semaphore, #tpu.memory_space<semaphore_mem>>) src(%arg7 : memref<128x128xf32, #tpu.memory_space<vmem>>) dst(%dma_wait3A_23 : memref<10240x128xf32, #tpu.memory_space<vmem_shared>>)
        tpu.yield
      }) : () -> ()
    }
    %scan3A_7 = arith.constant 80 : i32
    %barrier3A_8 = arith.constant 0 : index
    tpu.barrier barrier_id(%barrier3A_8)
    %mul3A_9 = arith.constant 640 : i32
    %mul3A_10 = arith.muli %arg1, %mul3A_9 : i32
    %mul3A_11 = arith.constant 640 : i32
    %mul3A_12 = arith.muli %arg1, %mul3A_11 : i32
    "tpu.region"() ({
      %run_scoped3A = tpu.sem_alloc : memref<!tpu.dma_semaphore, #tpu.memory_space<semaphore_mem>>
      %dma_start3A = arith.constant 0 : i32
      %dma_start3A_13 = tpu.memref_slice %arg5[%arg0, %mul3A_12, %dma_start3A] : memref<2x10240x128xf32, #tpu.memory_space<hbm>> -> memref<1x640x128xf32, #tpu.memory_space<hbm>>
      %dma_start3A_14 = tpu.memref_squeeze %dma_start3A_13 : memref<1x640x128xf32, #tpu.memory_space<hbm>> -> memref<640x128xf32, #tpu.memory_space<hbm>>
      %dma_start3A_15 = arith.constant 0 : i32
      %dma_start3A_16 = tpu.memref_slice %arg8[%mul3A_10, %dma_start3A_15] : memref<10240x128xf32, #tpu.memory_space<vmem_shared>> -> memref<640x128xf32, #tpu.memory_space<vmem_shared>>
      tpu.enqueue_dma source(%dma_start3A_16 : memref<640x128xf32, #tpu.memory_space<vmem_shared>>) target(%dma_start3A_14 : memref<640x128xf32, #tpu.memory_space<hbm>>) target_semaphore(%run_scoped3A : memref<!tpu.dma_semaphore, #tpu.memory_space<semaphore_mem>>)
      %dma_wait3A = arith.constant 0 : i32
      %dma_wait3A_17 = tpu.memref_slice %arg5[%arg0, %mul3A_12, %dma_wait3A] : memref<2x10240x128xf32, #tpu.memory_space<hbm>> -> memref<1x640x128xf32, #tpu.memory_space<hbm>>
      %dma_wait3A_18 = tpu.memref_squeeze %dma_wait3A_17 : memref<1x640x128xf32, #tpu.memory_space<hbm>> -> memref<640x128xf32, #tpu.memory_space<hbm>>
      %dma_wait3A_19 = arith.constant 0 : i32
      %dma_wait3A_20 = tpu.memref_slice %arg8[%mul3A_10, %dma_wait3A_19] : memref<10240x128xf32, #tpu.memory_space<vmem_shared>> -> memref<640x128xf32, #tpu.memory_space<vmem_shared>>
      tpu.wait_dma2 semaphore(%run_scoped3A : memref<!tpu.dma_semaphore, #tpu.memory_space<semaphore_mem>>) src(%dma_wait3A_20 : memref<640x128xf32, #tpu.memory_space<vmem_shared>>) dst(%dma_wait3A_18 : memref<640x128xf32, #tpu.memory_space<hbm>>)
      tpu.yield
    }) : () -> ()
    return
  }
}

#map = affine_map<(d0, d1) -> (0, 0)>
#map1 = affine_map<(d0, d1) -> (0, 0, 0)>
module attributes {stable_mosaic.version = 14 : i64} {
  func.func @_sc_scatter_body(%arg0: i32, %arg1: i32, %arg2: memref<10240x128xf32, #tpu.memory_space<hbm>>, %arg3: memref<32x80x128xi32, #tpu.memory_space<hbm>>, %arg4: memref<32x80x128xi32, #tpu.memory_space<hbm>>, %arg5: memref<640x128xf32, #tpu.memory_space<hbm>>, %arg6: memref<2x10240x128xf32, #tpu.memory_space<hbm>>, %arg7: memref<1x128xi32, #tpu.memory_space<vmem>>, %arg8: memref<1x128xi32, #tpu.memory_space<vmem>>, %arg9: memref<128x128xf32, #tpu.memory_space<vmem>>, %arg10: memref<128x128xf32, #tpu.memory_space<vmem>>, %arg11: memref<80x128xi32, #tpu.memory_space<vmem>>, %arg12: memref<10240x128xf32, #tpu.memory_space<vmem_shared>>, %arg13: memref<!tpu.dma_semaphore, #tpu.memory_space<semaphore_mem>>, %arg14: memref<!tpu.dma_semaphore, #tpu.memory_space<semaphore_mem>>, %arg15: memref<!tpu.dma_semaphore, #tpu.memory_space<semaphore_mem>>, %arg16: memref<!tpu.dma_semaphore, #tpu.memory_space<semaphore_mem>>) attributes {dimension_semantics = [#tpu.dimension_semantics<core_parallel>, #tpu.dimension_semantics<subcore_parallel>], iteration_bounds = array<i64: 2, 16>, scalar_prefetch = 0 : i64, scratch_operands = 10 : i64, tpu.core_type = #tpu.core_type<sc_vector_subcore>, window_params = [{transform_indices = #map}, {transform_indices = #map1}, {transform_indices = #map1}, {transform_indices = #map}, {transform_indices = #map1}]} {
    %mul3A = arith.constant 2 : i32
    %mul3A_0 = arith.muli %arg1, %mul3A : i32
    %add3A = arith.addi %mul3A_0, %arg0 : i32
    %mul3A_1 = arith.constant 640 : i32
    %mul3A_2 = arith.muli %arg1, %mul3A_1 : i32
    "tpu.region"() ({
      %run_scoped3A = tpu.sem_alloc : memref<!tpu.dma_semaphore, #tpu.memory_space<semaphore_mem>>
      %dma_start3A_56 = arith.constant 0 : i32
      %dma_start3A_57 = tpu.memref_slice %arg12[%mul3A_2, %dma_start3A_56] : memref<10240x128xf32, #tpu.memory_space<vmem_shared>> -> memref<640x128xf32, #tpu.memory_space<vmem_shared>>
      tpu.enqueue_dma source(%arg5 : memref<640x128xf32, #tpu.memory_space<hbm>>) target(%dma_start3A_57 : memref<640x128xf32, #tpu.memory_space<vmem_shared>>) target_semaphore(%run_scoped3A : memref<!tpu.dma_semaphore, #tpu.memory_space<semaphore_mem>>)
      %dma_wait3A_58 = arith.constant 0 : i32
      %dma_wait3A_59 = tpu.memref_slice %arg12[%mul3A_2, %dma_wait3A_58] : memref<10240x128xf32, #tpu.memory_space<vmem_shared>> -> memref<640x128xf32, #tpu.memory_space<vmem_shared>>
      tpu.wait_dma2 semaphore(%run_scoped3A : memref<!tpu.dma_semaphore, #tpu.memory_space<semaphore_mem>>) src(%arg5 : memref<640x128xf32, #tpu.memory_space<hbm>>) dst(%dma_wait3A_59 : memref<640x128xf32, #tpu.memory_space<vmem_shared>>)
      tpu.yield
    }) : () -> ()
    "tpu.region"() ({
      %run_scoped3A = tpu.sem_alloc : memref<!tpu.dma_semaphore, #tpu.memory_space<semaphore_mem>>
      %dma_start3A_56 = arith.constant 0 : i32
      %dma_start3A_57 = arith.constant 0 : i32
      %dma_start3A_58 = tpu.memref_slice %arg4[%add3A, %dma_start3A_56, %dma_start3A_57] : memref<32x80x128xi32, #tpu.memory_space<hbm>> -> memref<1x80x128xi32, #tpu.memory_space<hbm>>
      %dma_start3A_59 = tpu.memref_squeeze %dma_start3A_58 : memref<1x80x128xi32, #tpu.memory_space<hbm>> -> memref<80x128xi32, #tpu.memory_space<hbm>>
      %dma_start3A_60 = arith.constant 0 : i32
      %dma_start3A_61 = arith.constant 0 : i32
      %dma_start3A_62 = tpu.memref_slice %arg4[%add3A, %dma_start3A_60, %dma_start3A_61] : memref<32x80x128xi32, #tpu.memory_space<hbm>> -> memref<1x80x128xi32, #tpu.memory_space<hbm>>
      %dma_start3A_63 = tpu.memref_squeeze %dma_start3A_62 : memref<1x80x128xi32, #tpu.memory_space<hbm>> -> memref<80x128xi32, #tpu.memory_space<hbm>>
      tpu.enqueue_dma source(%dma_start3A_63 : memref<80x128xi32, #tpu.memory_space<hbm>>) target(%arg11 : memref<80x128xi32, #tpu.memory_space<vmem>>) target_semaphore(%run_scoped3A : memref<!tpu.dma_semaphore, #tpu.memory_space<semaphore_mem>>)
      %dma_wait3A_64 = arith.constant 0 : i32
      %dma_wait3A_65 = arith.constant 0 : i32
      %dma_wait3A_66 = tpu.memref_slice %arg4[%add3A, %dma_wait3A_64, %dma_wait3A_65] : memref<32x80x128xi32, #tpu.memory_space<hbm>> -> memref<1x80x128xi32, #tpu.memory_space<hbm>>
      %dma_wait3A_67 = tpu.memref_squeeze %dma_wait3A_66 : memref<1x80x128xi32, #tpu.memory_space<hbm>> -> memref<80x128xi32, #tpu.memory_space<hbm>>
      %dma_wait3A_68 = arith.constant 0 : i32
      %dma_wait3A_69 = arith.constant 0 : i32
      %dma_wait3A_70 = tpu.memref_slice %arg4[%add3A, %dma_wait3A_68, %dma_wait3A_69] : memref<32x80x128xi32, #tpu.memory_space<hbm>> -> memref<1x80x128xi32, #tpu.memory_space<hbm>>
      %dma_wait3A_71 = tpu.memref_squeeze %dma_wait3A_70 : memref<1x80x128xi32, #tpu.memory_space<hbm>> -> memref<80x128xi32, #tpu.memory_space<hbm>>
      tpu.wait_dma2 semaphore(%run_scoped3A : memref<!tpu.dma_semaphore, #tpu.memory_space<semaphore_mem>>) src(%dma_wait3A_71 : memref<80x128xi32, #tpu.memory_space<hbm>>) dst(%arg11 : memref<80x128xi32, #tpu.memory_space<vmem>>)
      tpu.yield
    }) : () -> ()
    %dma_start3A = arith.constant 0 : i32
    %dma_start3A_3 = arith.constant 0 : i32
    %dma_start3A_4 = tpu.memref_slice %arg3[%add3A, %dma_start3A, %dma_start3A_3] : memref<32x80x128xi32, #tpu.memory_space<hbm>> -> memref<1x1x128xi32, #tpu.memory_space<hbm>>
    %dma_start3A_5 = tpu.memref_squeeze %dma_start3A_4 : memref<1x1x128xi32, #tpu.memory_space<hbm>> -> memref<1x128xi32, #tpu.memory_space<hbm>>
    %dma_start3A_6 = arith.constant 0 : i32
    %dma_start3A_7 = arith.constant 0 : i32
    %dma_start3A_8 = tpu.memref_slice %arg3[%add3A, %dma_start3A_6, %dma_start3A_7] : memref<32x80x128xi32, #tpu.memory_space<hbm>> -> memref<1x1x128xi32, #tpu.memory_space<hbm>>
    %dma_start3A_9 = tpu.memref_squeeze %dma_start3A_8 : memref<1x1x128xi32, #tpu.memory_space<hbm>> -> memref<1x128xi32, #tpu.memory_space<hbm>>
    tpu.enqueue_dma source(%dma_start3A_9 : memref<1x128xi32, #tpu.memory_space<hbm>>) target(%arg7 : memref<1x128xi32, #tpu.memory_space<vmem>>) target_semaphore(%arg13 : memref<!tpu.dma_semaphore, #tpu.memory_space<semaphore_mem>>)
    %dma_start3A_10 = arith.constant 1 : i32
    %dma_start3A_11 = arith.constant 0 : i32
    %dma_start3A_12 = tpu.memref_slice %arg3[%add3A, %dma_start3A_10, %dma_start3A_11] : memref<32x80x128xi32, #tpu.memory_space<hbm>> -> memref<1x1x128xi32, #tpu.memory_space<hbm>>
    %dma_start3A_13 = tpu.memref_squeeze %dma_start3A_12 : memref<1x1x128xi32, #tpu.memory_space<hbm>> -> memref<1x128xi32, #tpu.memory_space<hbm>>
    %dma_start3A_14 = arith.constant 1 : i32
    %dma_start3A_15 = arith.constant 0 : i32
    %dma_start3A_16 = tpu.memref_slice %arg3[%add3A, %dma_start3A_14, %dma_start3A_15] : memref<32x80x128xi32, #tpu.memory_space<hbm>> -> memref<1x1x128xi32, #tpu.memory_space<hbm>>
    %dma_start3A_17 = tpu.memref_squeeze %dma_start3A_16 : memref<1x1x128xi32, #tpu.memory_space<hbm>> -> memref<1x128xi32, #tpu.memory_space<hbm>>
    tpu.enqueue_dma source(%dma_start3A_17 : memref<1x128xi32, #tpu.memory_space<hbm>>) target(%arg8 : memref<1x128xi32, #tpu.memory_space<vmem>>) target_semaphore(%arg14 : memref<!tpu.dma_semaphore, #tpu.memory_space<semaphore_mem>>)
    %barrier3A = arith.constant 0 : index
    tpu.barrier barrier_id(%barrier3A)
    %dma_wait3A = arith.constant 0 : i32
    %dma_wait3A_18 = arith.constant 0 : i32
    %dma_wait3A_19 = tpu.memref_slice %arg3[%add3A, %dma_wait3A, %dma_wait3A_18] : memref<32x80x128xi32, #tpu.memory_space<hbm>> -> memref<1x1x128xi32, #tpu.memory_space<hbm>>
    %dma_wait3A_20 = tpu.memref_squeeze %dma_wait3A_19 : memref<1x1x128xi32, #tpu.memory_space<hbm>> -> memref<1x128xi32, #tpu.memory_space<hbm>>
    %dma_wait3A_21 = arith.constant 0 : i32
    %dma_wait3A_22 = arith.constant 0 : i32
    %dma_wait3A_23 = tpu.memref_slice %arg3[%add3A, %dma_wait3A_21, %dma_wait3A_22] : memref<32x80x128xi32, #tpu.memory_space<hbm>> -> memref<1x1x128xi32, #tpu.memory_space<hbm>>
    %dma_wait3A_24 = tpu.memref_squeeze %dma_wait3A_23 : memref<1x1x128xi32, #tpu.memory_space<hbm>> -> memref<1x128xi32, #tpu.memory_space<hbm>>
    tpu.wait_dma2 semaphore(%arg13 : memref<!tpu.dma_semaphore, #tpu.memory_space<semaphore_mem>>) src(%dma_wait3A_24 : memref<1x128xi32, #tpu.memory_space<hbm>>) dst(%arg7 : memref<1x128xi32, #tpu.memory_space<vmem>>)
    %dma_start3A_25 = arith.constant 0 : i32
    %dma_start3A_26 = arith.constant 0 : i32
    %dma_start3A_27 = tpu.memref_slice %arg7[%dma_start3A_25, %dma_start3A_26] : memref<1x128xi32, #tpu.memory_space<vmem>> -> memref<1x128xi32, #tpu.memory_space<vmem>>
    %dma_start3A_28 = tpu.memref_squeeze %dma_start3A_27 : memref<1x128xi32, #tpu.memory_space<vmem>> -> memref<128xi32, #tpu.memory_space<vmem>>
    %dma_start3A_29 = arith.constant 0 : i32
    %dma_start3A_30 = arith.constant 0 : i32
    %dma_start3A_31 = tpu.memref_slice %arg2[%dma_start3A_29, %dma_start3A_30] : memref<10240x128xf32, #tpu.memory_space<hbm>> -> memref<10240x128xf32, #tpu.memory_space<hbm>>
    tpu.enqueue_indirect_dma source(%dma_start3A_31 : memref<10240x128xf32, #tpu.memory_space<hbm>>) target(%arg9 : memref<128x128xf32, #tpu.memory_space<vmem>>) offsets(%dma_start3A_28 : memref<128xi32, #tpu.memory_space<vmem>>) semaphore(%arg15 : memref<!tpu.dma_semaphore, #tpu.memory_space<semaphore_mem>>)
    %scan3A = arith.constant 0 : i32
    %scan3A_32 = arith.constant 0 : i32
    %scan3A_33 = arith.constant 40 : i32
    %scan3A_34 = arith.addi %scan3A_32, %scan3A_33 : i32
    %scan3A_35 = arith.constant 1 : i32
    scf.for %scan3A_56 = %scan3A_32 to %scan3A_34 step %scan3A_35  : i32 {
      %mul3A_57 = arith.constant 2 : i32
      %mul3A_58 = arith.muli %scan3A_56, %mul3A_57 : i32
      %dma_wait3A_59 = arith.constant 0 : i32
      %dma_wait3A_60 = arith.constant 0 : i32
      %dma_wait3A_61 = tpu.memref_slice %arg3[%add3A, %dma_wait3A_59, %dma_wait3A_60] : memref<32x80x128xi32, #tpu.memory_space<hbm>> -> memref<1x1x128xi32, #tpu.memory_space<hbm>>
      %dma_wait3A_62 = tpu.memref_squeeze %dma_wait3A_61 : memref<1x1x128xi32, #tpu.memory_space<hbm>> -> memref<1x128xi32, #tpu.memory_space<hbm>>
      %dma_wait3A_63 = arith.constant 0 : i32
      %dma_wait3A_64 = arith.constant 0 : i32
      %dma_wait3A_65 = tpu.memref_slice %arg3[%add3A, %dma_wait3A_63, %dma_wait3A_64] : memref<32x80x128xi32, #tpu.memory_space<hbm>> -> memref<1x1x128xi32, #tpu.memory_space<hbm>>
      %dma_wait3A_66 = tpu.memref_squeeze %dma_wait3A_65 : memref<1x1x128xi32, #tpu.memory_space<hbm>> -> memref<1x128xi32, #tpu.memory_space<hbm>>
      tpu.wait_dma2 semaphore(%arg14 : memref<!tpu.dma_semaphore, #tpu.memory_space<semaphore_mem>>) src(%dma_wait3A_66 : memref<1x128xi32, #tpu.memory_space<hbm>>) dst(%arg8 : memref<1x128xi32, #tpu.memory_space<vmem>>)
      %dma_start3A_67 = arith.constant 0 : i32
      %dma_start3A_68 = arith.constant 0 : i32
      %dma_start3A_69 = tpu.memref_slice %arg8[%dma_start3A_67, %dma_start3A_68] : memref<1x128xi32, #tpu.memory_space<vmem>> -> memref<1x128xi32, #tpu.memory_space<vmem>>
      %dma_start3A_70 = tpu.memref_squeeze %dma_start3A_69 : memref<1x128xi32, #tpu.memory_space<vmem>> -> memref<128xi32, #tpu.memory_space<vmem>>
      %dma_start3A_71 = arith.constant 0 : i32
      %dma_start3A_72 = arith.constant 0 : i32
      %dma_start3A_73 = tpu.memref_slice %arg2[%dma_start3A_71, %dma_start3A_72] : memref<10240x128xf32, #tpu.memory_space<hbm>> -> memref<10240x128xf32, #tpu.memory_space<hbm>>
      tpu.enqueue_indirect_dma source(%dma_start3A_73 : memref<10240x128xf32, #tpu.memory_space<hbm>>) target(%arg10 : memref<128x128xf32, #tpu.memory_space<vmem>>) offsets(%dma_start3A_70 : memref<128xi32, #tpu.memory_space<vmem>>) semaphore(%arg16 : memref<!tpu.dma_semaphore, #tpu.memory_space<semaphore_mem>>)
      %dma_wait3A_74 = arith.constant 0 : i32
      %dma_wait3A_75 = arith.constant 0 : i32
      %dma_wait3A_76 = tpu.memref_slice %arg2[%dma_wait3A_74, %dma_wait3A_75] : memref<10240x128xf32, #tpu.memory_space<hbm>> -> memref<128x128xf32, #tpu.memory_space<hbm>>
      %dma_wait3A_77 = arith.constant 0 : i32
      %dma_wait3A_78 = arith.constant 0 : i32
      %dma_wait3A_79 = tpu.memref_slice %arg2[%dma_wait3A_77, %dma_wait3A_78] : memref<10240x128xf32, #tpu.memory_space<hbm>> -> memref<128x128xf32, #tpu.memory_space<hbm>>
      tpu.wait_dma2 semaphore(%arg15 : memref<!tpu.dma_semaphore, #tpu.memory_space<semaphore_mem>>) src(%dma_wait3A_79 : memref<128x128xf32, #tpu.memory_space<hbm>>) dst(%arg9 : memref<128x128xf32, #tpu.memory_space<vmem>>)
      %add3A_80 = arith.constant 0 : i32
      %add3A_81 = arith.addi %mul3A_58, %add3A_80 : i32
      "tpu.region"() ({
        %run_scoped3A = tpu.sem_alloc : memref<!tpu.dma_semaphore, #tpu.memory_space<semaphore_mem>>
        %dma_start3A_128 = arith.constant 0 : i32
        %dma_start3A_129 = tpu.memref_slice %arg11[%add3A_81, %dma_start3A_128] : memref<80x128xi32, #tpu.memory_space<vmem>> -> memref<1x128xi32, #tpu.memory_space<vmem>>
        %dma_start3A_130 = tpu.memref_squeeze %dma_start3A_129 : memref<1x128xi32, #tpu.memory_space<vmem>> -> memref<128xi32, #tpu.memory_space<vmem>>
        %dma_start3A_131 = arith.constant 0 : i32
        %dma_start3A_132 = arith.constant 0 : i32
        %dma_start3A_133 = tpu.memref_slice %arg12[%dma_start3A_131, %dma_start3A_132] : memref<10240x128xf32, #tpu.memory_space<vmem_shared>> -> memref<10240x128xf32, #tpu.memory_space<vmem_shared>>
        tpu.enqueue_indirect_dma source(%arg9 : memref<128x128xf32, #tpu.memory_space<vmem>>) target(%dma_start3A_133 : memref<10240x128xf32, #tpu.memory_space<vmem_shared>>) offsets(%dma_start3A_130 : memref<128xi32, #tpu.memory_space<vmem>>) semaphore(%run_scoped3A : memref<!tpu.dma_semaphore, #tpu.memory_space<semaphore_mem>>) {add = true}
        %dma_wait3A_134 = arith.constant 0 : i32
        %dma_wait3A_135 = tpu.memref_slice %arg11[%add3A_81, %dma_wait3A_134] : memref<80x128xi32, #tpu.memory_space<vmem>> -> memref<1x128xi32, #tpu.memory_space<vmem>>
        %dma_wait3A_136 = tpu.memref_squeeze %dma_wait3A_135 : memref<1x128xi32, #tpu.memory_space<vmem>> -> memref<128xi32, #tpu.memory_space<vmem>>
        %dma_wait3A_137 = arith.constant 0 : i32
        %dma_wait3A_138 = arith.constant 0 : i32
        %dma_wait3A_139 = tpu.memref_slice %arg12[%dma_wait3A_137, %dma_wait3A_138] : memref<10240x128xf32, #tpu.memory_space<vmem_shared>> -> memref<10240x128xf32, #tpu.memory_space<vmem_shared>>
        tpu.wait_indirect_dma semaphore(%run_scoped3A : memref<!tpu.dma_semaphore, #tpu.memory_space<semaphore_mem>>) src(%arg9 : memref<128x128xf32, #tpu.memory_space<vmem>>) dst(%dma_wait3A_139 : memref<10240x128xf32, #tpu.memory_space<vmem_shared>>)
        tpu.yield
      }) : () -> ()
      %add3A_82 = arith.constant 0 : i32
      %add3A_83 = arith.addi %mul3A_58, %add3A_82 : i32
      %add3A_84 = arith.constant 2 : i32
      %add3A_85 = arith.addi %add3A_83, %add3A_84 : i32
      %min3A = arith.constant 79 : i32
      %min3A_86 = arith.minsi %add3A_85, %min3A : i32
      %dma_start3A_87 = arith.constant 0 : i32
      %dma_start3A_88 = tpu.memref_slice %arg3[%add3A, %min3A_86, %dma_start3A_87] : memref<32x80x128xi32, #tpu.memory_space<hbm>> -> memref<1x1x128xi32, #tpu.memory_space<hbm>>
      %dma_start3A_89 = tpu.memref_squeeze %dma_start3A_88 : memref<1x1x128xi32, #tpu.memory_space<hbm>> -> memref<1x128xi32, #tpu.memory_space<hbm>>
      %dma_start3A_90 = arith.constant 0 : i32
      %dma_start3A_91 = tpu.memref_slice %arg3[%add3A, %min3A_86, %dma_start3A_90] : memref<32x80x128xi32, #tpu.memory_space<hbm>> -> memref<1x1x128xi32, #tpu.memory_space<hbm>>
      %dma_start3A_92 = tpu.memref_squeeze %dma_start3A_91 : memref<1x1x128xi32, #tpu.memory_space<hbm>> -> memref<1x128xi32, #tpu.memory_space<hbm>>
      tpu.enqueue_dma source(%dma_start3A_92 : memref<1x128xi32, #tpu.memory_space<hbm>>) target(%arg7 : memref<1x128xi32, #tpu.memory_space<vmem>>) target_semaphore(%arg13 : memref<!tpu.dma_semaphore, #tpu.memory_space<semaphore_mem>>)
      %dma_wait3A_93 = arith.constant 0 : i32
      %dma_wait3A_94 = arith.constant 0 : i32
      %dma_wait3A_95 = tpu.memref_slice %arg3[%add3A, %dma_wait3A_93, %dma_wait3A_94] : memref<32x80x128xi32, #tpu.memory_space<hbm>> -> memref<1x1x128xi32, #tpu.memory_space<hbm>>
      %dma_wait3A_96 = tpu.memref_squeeze %dma_wait3A_95 : memref<1x1x128xi32, #tpu.memory_space<hbm>> -> memref<1x128xi32, #tpu.memory_space<hbm>>
      %dma_wait3A_97 = arith.constant 0 : i32
      %dma_wait3A_98 = arith.constant 0 : i32
      %dma_wait3A_99 = tpu.memref_slice %arg3[%add3A, %dma_wait3A_97, %dma_wait3A_98] : memref<32x80x128xi32, #tpu.memory_space<hbm>> -> memref<1x1x128xi32, #tpu.memory_space<hbm>>
      %dma_wait3A_100 = tpu.memref_squeeze %dma_wait3A_99 : memref<1x1x128xi32, #tpu.memory_space<hbm>> -> memref<1x128xi32, #tpu.memory_space<hbm>>
      tpu.wait_dma2 semaphore(%arg13 : memref<!tpu.dma_semaphore, #tpu.memory_space<semaphore_mem>>) src(%dma_wait3A_100 : memref<1x128xi32, #tpu.memory_space<hbm>>) dst(%arg7 : memref<1x128xi32, #tpu.memory_space<vmem>>)
      %dma_start3A_101 = arith.constant 0 : i32
      %dma_start3A_102 = arith.constant 0 : i32
      %dma_start3A_103 = tpu.memref_slice %arg7[%dma_start3A_101, %dma_start3A_102] : memref<1x128xi32, #tpu.memory_space<vmem>> -> memref<1x128xi32, #tpu.memory_space<vmem>>
      %dma_start3A_104 = tpu.memref_squeeze %dma_start3A_103 : memref<1x128xi32, #tpu.memory_space<vmem>> -> memref<128xi32, #tpu.memory_space<vmem>>
      %dma_start3A_105 = arith.constant 0 : i32
      %dma_start3A_106 = arith.constant 0 : i32
      %dma_start3A_107 = tpu.memref_slice %arg2[%dma_start3A_105, %dma_start3A_106] : memref<10240x128xf32, #tpu.memory_space<hbm>> -> memref<10240x128xf32, #tpu.memory_space<hbm>>
      tpu.enqueue_indirect_dma source(%dma_start3A_107 : memref<10240x128xf32, #tpu.memory_space<hbm>>) target(%arg9 : memref<128x128xf32, #tpu.memory_space<vmem>>) offsets(%dma_start3A_104 : memref<128xi32, #tpu.memory_space<vmem>>) semaphore(%arg15 : memref<!tpu.dma_semaphore, #tpu.memory_space<semaphore_mem>>)
      %dma_wait3A_108 = arith.constant 0 : i32
      %dma_wait3A_109 = arith.constant 0 : i32
      %dma_wait3A_110 = tpu.memref_slice %arg2[%dma_wait3A_108, %dma_wait3A_109] : memref<10240x128xf32, #tpu.memory_space<hbm>> -> memref<128x128xf32, #tpu.memory_space<hbm>>
      %dma_wait3A_111 = arith.constant 0 : i32
      %dma_wait3A_112 = arith.constant 0 : i32
      %dma_wait3A_113 = tpu.memref_slice %arg2[%dma_wait3A_111, %dma_wait3A_112] : memref<10240x128xf32, #tpu.memory_space<hbm>> -> memref<128x128xf32, #tpu.memory_space<hbm>>
      tpu.wait_dma2 semaphore(%arg16 : memref<!tpu.dma_semaphore, #tpu.memory_space<semaphore_mem>>) src(%dma_wait3A_113 : memref<128x128xf32, #tpu.memory_space<hbm>>) dst(%arg10 : memref<128x128xf32, #tpu.memory_space<vmem>>)
      %add3A_114 = arith.constant 1 : i32
      %add3A_115 = arith.addi %mul3A_58, %add3A_114 : i32
      "tpu.region"() ({
        %run_scoped3A = tpu.sem_alloc : memref<!tpu.dma_semaphore, #tpu.memory_space<semaphore_mem>>
        %dma_start3A_128 = arith.constant 0 : i32
        %dma_start3A_129 = tpu.memref_slice %arg11[%add3A_115, %dma_start3A_128] : memref<80x128xi32, #tpu.memory_space<vmem>> -> memref<1x128xi32, #tpu.memory_space<vmem>>
        %dma_start3A_130 = tpu.memref_squeeze %dma_start3A_129 : memref<1x128xi32, #tpu.memory_space<vmem>> -> memref<128xi32, #tpu.memory_space<vmem>>
        %dma_start3A_131 = arith.constant 0 : i32
        %dma_start3A_132 = arith.constant 0 : i32
        %dma_start3A_133 = tpu.memref_slice %arg12[%dma_start3A_131, %dma_start3A_132] : memref<10240x128xf32, #tpu.memory_space<vmem_shared>> -> memref<10240x128xf32, #tpu.memory_space<vmem_shared>>
        tpu.enqueue_indirect_dma source(%arg10 : memref<128x128xf32, #tpu.memory_space<vmem>>) target(%dma_start3A_133 : memref<10240x128xf32, #tpu.memory_space<vmem_shared>>) offsets(%dma_start3A_130 : memref<128xi32, #tpu.memory_space<vmem>>) semaphore(%run_scoped3A : memref<!tpu.dma_semaphore, #tpu.memory_space<semaphore_mem>>) {add = true}
        %dma_wait3A_134 = arith.constant 0 : i32
        %dma_wait3A_135 = tpu.memref_slice %arg11[%add3A_115, %dma_wait3A_134] : memref<80x128xi32, #tpu.memory_space<vmem>> -> memref<1x128xi32, #tpu.memory_space<vmem>>
        %dma_wait3A_136 = tpu.memref_squeeze %dma_wait3A_135 : memref<1x128xi32, #tpu.memory_space<vmem>> -> memref<128xi32, #tpu.memory_space<vmem>>
        %dma_wait3A_137 = arith.constant 0 : i32
        %dma_wait3A_138 = arith.constant 0 : i32
        %dma_wait3A_139 = tpu.memref_slice %arg12[%dma_wait3A_137, %dma_wait3A_138] : memref<10240x128xf32, #tpu.memory_space<vmem_shared>> -> memref<10240x128xf32, #tpu.memory_space<vmem_shared>>
        tpu.wait_indirect_dma semaphore(%run_scoped3A : memref<!tpu.dma_semaphore, #tpu.memory_space<semaphore_mem>>) src(%arg10 : memref<128x128xf32, #tpu.memory_space<vmem>>) dst(%dma_wait3A_139 : memref<10240x128xf32, #tpu.memory_space<vmem_shared>>)
        tpu.yield
      }) : () -> ()
      %add3A_116 = arith.constant 1 : i32
      %add3A_117 = arith.addi %mul3A_58, %add3A_116 : i32
      %add3A_118 = arith.constant 2 : i32
      %add3A_119 = arith.addi %add3A_117, %add3A_118 : i32
      %min3A_120 = arith.constant 79 : i32
      %min3A_121 = arith.minsi %add3A_119, %min3A_120 : i32
      %dma_start3A_122 = arith.constant 0 : i32
      %dma_start3A_123 = tpu.memref_slice %arg3[%add3A, %min3A_121, %dma_start3A_122] : memref<32x80x128xi32, #tpu.memory_space<hbm>> -> memref<1x1x128xi32, #tpu.memory_space<hbm>>
      %dma_start3A_124 = tpu.memref_squeeze %dma_start3A_123 : memref<1x1x128xi32, #tpu.memory_space<hbm>> -> memref<1x128xi32, #tpu.memory_space<hbm>>
      %dma_start3A_125 = arith.constant 0 : i32
      %dma_start3A_126 = tpu.memref_slice %arg3[%add3A, %min3A_121, %dma_start3A_125] : memref<32x80x128xi32, #tpu.memory_space<hbm>> -> memref<1x1x128xi32, #tpu.memory_space<hbm>>
      %dma_start3A_127 = tpu.memref_squeeze %dma_start3A_126 : memref<1x1x128xi32, #tpu.memory_space<hbm>> -> memref<1x128xi32, #tpu.memory_space<hbm>>
      tpu.enqueue_dma source(%dma_start3A_127 : memref<1x128xi32, #tpu.memory_space<hbm>>) target(%arg8 : memref<1x128xi32, #tpu.memory_space<vmem>>) target_semaphore(%arg14 : memref<!tpu.dma_semaphore, #tpu.memory_space<semaphore_mem>>)
    }
    %scan3A_36 = arith.constant 40 : i32
    %dma_wait3A_37 = arith.constant 0 : i32
    %dma_wait3A_38 = arith.constant 0 : i32
    %dma_wait3A_39 = tpu.memref_slice %arg2[%dma_wait3A_37, %dma_wait3A_38] : memref<10240x128xf32, #tpu.memory_space<hbm>> -> memref<128x128xf32, #tpu.memory_space<hbm>>
    %dma_wait3A_40 = arith.constant 0 : i32
    %dma_wait3A_41 = arith.constant 0 : i32
    %dma_wait3A_42 = tpu.memref_slice %arg2[%dma_wait3A_40, %dma_wait3A_41] : memref<10240x128xf32, #tpu.memory_space<hbm>> -> memref<128x128xf32, #tpu.memory_space<hbm>>
    tpu.wait_dma2 semaphore(%arg15 : memref<!tpu.dma_semaphore, #tpu.memory_space<semaphore_mem>>) src(%dma_wait3A_42 : memref<128x128xf32, #tpu.memory_space<hbm>>) dst(%arg9 : memref<128x128xf32, #tpu.memory_space<vmem>>)
    %dma_wait3A_43 = arith.constant 0 : i32
    %dma_wait3A_44 = arith.constant 0 : i32
    %dma_wait3A_45 = tpu.memref_slice %arg3[%add3A, %dma_wait3A_43, %dma_wait3A_44] : memref<32x80x128xi32, #tpu.memory_space<hbm>> -> memref<1x1x128xi32, #tpu.memory_space<hbm>>
    %dma_wait3A_46 = tpu.memref_squeeze %dma_wait3A_45 : memref<1x1x128xi32, #tpu.memory_space<hbm>> -> memref<1x128xi32, #tpu.memory_space<hbm>>
    %dma_wait3A_47 = arith.constant 0 : i32
    %dma_wait3A_48 = arith.constant 0 : i32
    %dma_wait3A_49 = tpu.memref_slice %arg3[%add3A, %dma_wait3A_47, %dma_wait3A_48] : memref<32x80x128xi32, #tpu.memory_space<hbm>> -> memref<1x1x128xi32, #tpu.memory_space<hbm>>
    %dma_wait3A_50 = tpu.memref_squeeze %dma_wait3A_49 : memref<1x1x128xi32, #tpu.memory_space<hbm>> -> memref<1x128xi32, #tpu.memory_space<hbm>>
    tpu.wait_dma2 semaphore(%arg14 : memref<!tpu.dma_semaphore, #tpu.memory_space<semaphore_mem>>) src(%dma_wait3A_50 : memref<1x128xi32, #tpu.memory_space<hbm>>) dst(%arg8 : memref<1x128xi32, #tpu.memory_space<vmem>>)
    %barrier3A_51 = arith.constant 0 : index
    tpu.barrier barrier_id(%barrier3A_51)
    %mul3A_52 = arith.constant 640 : i32
    %mul3A_53 = arith.muli %arg1, %mul3A_52 : i32
    %mul3A_54 = arith.constant 640 : i32
    %mul3A_55 = arith.muli %arg1, %mul3A_54 : i32
    "tpu.region"() ({
      %run_scoped3A = tpu.sem_alloc : memref<!tpu.dma_semaphore, #tpu.memory_space<semaphore_mem>>
      %dma_start3A_56 = arith.constant 0 : i32
      %dma_start3A_57 = tpu.memref_slice %arg6[%arg0, %mul3A_55, %dma_start3A_56] : memref<2x10240x128xf32, #tpu.memory_space<hbm>> -> memref<1x640x128xf32, #tpu.memory_space<hbm>>
      %dma_start3A_58 = tpu.memref_squeeze %dma_start3A_57 : memref<1x640x128xf32, #tpu.memory_space<hbm>> -> memref<640x128xf32, #tpu.memory_space<hbm>>
      %dma_start3A_59 = arith.constant 0 : i32
      %dma_start3A_60 = tpu.memref_slice %arg12[%mul3A_53, %dma_start3A_59] : memref<10240x128xf32, #tpu.memory_space<vmem_shared>> -> memref<640x128xf32, #tpu.memory_space<vmem_shared>>
      tpu.enqueue_dma source(%dma_start3A_60 : memref<640x128xf32, #tpu.memory_space<vmem_shared>>) target(%dma_start3A_58 : memref<640x128xf32, #tpu.memory_space<hbm>>) target_semaphore(%run_scoped3A : memref<!tpu.dma_semaphore, #tpu.memory_space<semaphore_mem>>)
      %dma_wait3A_61 = arith.constant 0 : i32
      %dma_wait3A_62 = tpu.memref_slice %arg6[%arg0, %mul3A_55, %dma_wait3A_61] : memref<2x10240x128xf32, #tpu.memory_space<hbm>> -> memref<1x640x128xf32, #tpu.memory_space<hbm>>
      %dma_wait3A_63 = tpu.memref_squeeze %dma_wait3A_62 : memref<1x640x128xf32, #tpu.memory_space<hbm>> -> memref<640x128xf32, #tpu.memory_space<hbm>>
      %dma_wait3A_64 = arith.constant 0 : i32
      %dma_wait3A_65 = tpu.memref_slice %arg12[%mul3A_53, %dma_wait3A_64] : memref<10240x128xf32, #tpu.memory_space<vmem_shared>> -> memref<640x128xf32, #tpu.memory_space<vmem_shared>>
      tpu.wait_dma2 semaphore(%run_scoped3A : memref<!tpu.dma_semaphore, #tpu.memory_space<semaphore_mem>>) src(%dma_wait3A_65 : memref<640x128xf32, #tpu.memory_space<vmem_shared>>) dst(%dma_wait3A_63 : memref<640x128xf32, #tpu.memory_space<hbm>>)
      tpu.yield
    }) : () -> ()
    return
  }
}

#map = affine_map<(d0, d1) -> (0, 0)>
#map1 = affine_map<(d0, d1) -> (0, 0, 0)>
module attributes {stable_mosaic.version = 14 : i64} {
  func.func @_sc_scatter_body(%arg0: i32, %arg1: i32, %arg2: memref<10240x128xf32, #tpu.memory_space<hbm>>, %arg3: memref<32x80x128xi32, #tpu.memory_space<hbm>>, %arg4: memref<32x80x128xi32, #tpu.memory_space<hbm>>, %arg5: memref<640x128xf32, #tpu.memory_space<hbm>>, %arg6: memref<2x10240x128xf32, #tpu.memory_space<hbm>>, %arg7: memref<1x128xi32, #tpu.memory_space<vmem>>, %arg8: memref<1x128xi32, #tpu.memory_space<vmem>>, %arg9: memref<128x128xf32, #tpu.memory_space<vmem>>, %arg10: memref<128x128xf32, #tpu.memory_space<vmem>>, %arg11: memref<80x128xi32, #tpu.memory_space<vmem>>, %arg12: memref<10240x128xf32, #tpu.memory_space<vmem_shared>>, %arg13: memref<!tpu.dma_semaphore, #tpu.memory_space<semaphore_mem>>, %arg14: memref<!tpu.dma_semaphore, #tpu.memory_space<semaphore_mem>>, %arg15: memref<!tpu.dma_semaphore, #tpu.memory_space<semaphore_mem>>, %arg16: memref<!tpu.dma_semaphore, #tpu.memory_space<semaphore_mem>>) attributes {dimension_semantics = [#tpu.dimension_semantics<core_parallel>, #tpu.dimension_semantics<subcore_parallel>], iteration_bounds = array<i64: 2, 16>, scalar_prefetch = 0 : i64, scratch_operands = 10 : i64, tpu.core_type = #tpu.core_type<sc_vector_subcore>, window_params = [{transform_indices = #map}, {transform_indices = #map1}, {transform_indices = #map1}, {transform_indices = #map}, {transform_indices = #map1}]} {
    %mul3A = arith.constant 2 : i32
    %mul3A_0 = arith.muli %arg1, %mul3A : i32
    %add3A = arith.addi %mul3A_0, %arg0 : i32
    %mul3A_1 = arith.constant 640 : i32
    %mul3A_2 = arith.muli %arg1, %mul3A_1 : i32
    "tpu.region"() ({
      %run_scoped3A = tpu.sem_alloc : memref<!tpu.dma_semaphore, #tpu.memory_space<semaphore_mem>>
      %dma_start3A_56 = arith.constant 0 : i32
      %dma_start3A_57 = tpu.memref_slice %arg12[%mul3A_2, %dma_start3A_56] : memref<10240x128xf32, #tpu.memory_space<vmem_shared>> -> memref<640x128xf32, #tpu.memory_space<vmem_shared>>
      tpu.enqueue_dma source(%arg5 : memref<640x128xf32, #tpu.memory_space<hbm>>) target(%dma_start3A_57 : memref<640x128xf32, #tpu.memory_space<vmem_shared>>) target_semaphore(%run_scoped3A : memref<!tpu.dma_semaphore, #tpu.memory_space<semaphore_mem>>)
      %dma_wait3A_58 = arith.constant 0 : i32
      %dma_wait3A_59 = tpu.memref_slice %arg12[%mul3A_2, %dma_wait3A_58] : memref<10240x128xf32, #tpu.memory_space<vmem_shared>> -> memref<640x128xf32, #tpu.memory_space<vmem_shared>>
      tpu.wait_dma2 semaphore(%run_scoped3A : memref<!tpu.dma_semaphore, #tpu.memory_space<semaphore_mem>>) src(%arg5 : memref<640x128xf32, #tpu.memory_space<hbm>>) dst(%dma_wait3A_59 : memref<640x128xf32, #tpu.memory_space<vmem_shared>>)
      tpu.yield
    }) : () -> ()
    "tpu.region"() ({
      %run_scoped3A = tpu.sem_alloc : memref<!tpu.dma_semaphore, #tpu.memory_space<semaphore_mem>>
      %dma_start3A_56 = arith.constant 0 : i32
      %dma_start3A_57 = arith.constant 0 : i32
      %dma_start3A_58 = tpu.memref_slice %arg4[%add3A, %dma_start3A_56, %dma_start3A_57] : memref<32x80x128xi32, #tpu.memory_space<hbm>> -> memref<1x80x128xi32, #tpu.memory_space<hbm>>
      %dma_start3A_59 = tpu.memref_squeeze %dma_start3A_58 : memref<1x80x128xi32, #tpu.memory_space<hbm>> -> memref<80x128xi32, #tpu.memory_space<hbm>>
      %dma_start3A_60 = arith.constant 0 : i32
      %dma_start3A_61 = arith.constant 0 : i32
      %dma_start3A_62 = tpu.memref_slice %arg4[%add3A, %dma_start3A_60, %dma_start3A_61] : memref<32x80x128xi32, #tpu.memory_space<hbm>> -> memref<1x80x128xi32, #tpu.memory_space<hbm>>
      %dma_start3A_63 = tpu.memref_squeeze %dma_start3A_62 : memref<1x80x128xi32, #tpu.memory_space<hbm>> -> memref<80x128xi32, #tpu.memory_space<hbm>>
      tpu.enqueue_dma source(%dma_start3A_63 : memref<80x128xi32, #tpu.memory_space<hbm>>) target(%arg11 : memref<80x128xi32, #tpu.memory_space<vmem>>) target_semaphore(%run_scoped3A : memref<!tpu.dma_semaphore, #tpu.memory_space<semaphore_mem>>)
      %dma_wait3A_64 = arith.constant 0 : i32
      %dma_wait3A_65 = arith.constant 0 : i32
      %dma_wait3A_66 = tpu.memref_slice %arg4[%add3A, %dma_wait3A_64, %dma_wait3A_65] : memref<32x80x128xi32, #tpu.memory_space<hbm>> -> memref<1x80x128xi32, #tpu.memory_space<hbm>>
      %dma_wait3A_67 = tpu.memref_squeeze %dma_wait3A_66 : memref<1x80x128xi32, #tpu.memory_space<hbm>> -> memref<80x128xi32, #tpu.memory_space<hbm>>
      %dma_wait3A_68 = arith.constant 0 : i32
      %dma_wait3A_69 = arith.constant 0 : i32
      %dma_wait3A_70 = tpu.memref_slice %arg4[%add3A, %dma_wait3A_68, %dma_wait3A_69] : memref<32x80x128xi32, #tpu.memory_space<hbm>> -> memref<1x80x128xi32, #tpu.memory_space<hbm>>
      %dma_wait3A_71 = tpu.memref_squeeze %dma_wait3A_70 : memref<1x80x128xi32, #tpu.memory_space<hbm>> -> memref<80x128xi32, #tpu.memory_space<hbm>>
      tpu.wait_dma2 semaphore(%run_scoped3A : memref<!tpu.dma_semaphore, #tpu.memory_space<semaphore_mem>>) src(%dma_wait3A_71 : memref<80x128xi32, #tpu.memory_space<hbm>>) dst(%arg11 : memref<80x128xi32, #tpu.memory_space<vmem>>)
      tpu.yield
    }) : () -> ()
    %dma_start3A = arith.constant 0 : i32
    %dma_start3A_3 = arith.constant 0 : i32
    %dma_start3A_4 = tpu.memref_slice %arg3[%add3A, %dma_start3A, %dma_start3A_3] : memref<32x80x128xi32, #tpu.memory_space<hbm>> -> memref<1x1x128xi32, #tpu.memory_space<hbm>>
    %dma_start3A_5 = tpu.memref_squeeze %dma_start3A_4 : memref<1x1x128xi32, #tpu.memory_space<hbm>> -> memref<1x128xi32, #tpu.memory_space<hbm>>
    %dma_start3A_6 = arith.constant 0 : i32
    %dma_start3A_7 = arith.constant 0 : i32
    %dma_start3A_8 = tpu.memref_slice %arg3[%add3A, %dma_start3A_6, %dma_start3A_7] : memref<32x80x128xi32, #tpu.memory_space<hbm>> -> memref<1x1x128xi32, #tpu.memory_space<hbm>>
    %dma_start3A_9 = tpu.memref_squeeze %dma_start3A_8 : memref<1x1x128xi32, #tpu.memory_space<hbm>> -> memref<1x128xi32, #tpu.memory_space<hbm>>
    tpu.enqueue_dma source(%dma_start3A_9 : memref<1x128xi32, #tpu.memory_space<hbm>>) target(%arg7 : memref<1x128xi32, #tpu.memory_space<vmem>>) target_semaphore(%arg13 : memref<!tpu.dma_semaphore, #tpu.memory_space<semaphore_mem>>)
    %dma_start3A_10 = arith.constant 1 : i32
    %dma_start3A_11 = arith.constant 0 : i32
    %dma_start3A_12 = tpu.memref_slice %arg3[%add3A, %dma_start3A_10, %dma_start3A_11] : memref<32x80x128xi32, #tpu.memory_space<hbm>> -> memref<1x1x128xi32, #tpu.memory_space<hbm>>
    %dma_start3A_13 = tpu.memref_squeeze %dma_start3A_12 : memref<1x1x128xi32, #tpu.memory_space<hbm>> -> memref<1x128xi32, #tpu.memory_space<hbm>>
    %dma_start3A_14 = arith.constant 1 : i32
    %dma_start3A_15 = arith.constant 0 : i32
    %dma_start3A_16 = tpu.memref_slice %arg3[%add3A, %dma_start3A_14, %dma_start3A_15] : memref<32x80x128xi32, #tpu.memory_space<hbm>> -> memref<1x1x128xi32, #tpu.memory_space<hbm>>
    %dma_start3A_17 = tpu.memref_squeeze %dma_start3A_16 : memref<1x1x128xi32, #tpu.memory_space<hbm>> -> memref<1x128xi32, #tpu.memory_space<hbm>>
    tpu.enqueue_dma source(%dma_start3A_17 : memref<1x128xi32, #tpu.memory_space<hbm>>) target(%arg8 : memref<1x128xi32, #tpu.memory_space<vmem>>) target_semaphore(%arg14 : memref<!tpu.dma_semaphore, #tpu.memory_space<semaphore_mem>>)
    %barrier3A = arith.constant 0 : index
    tpu.barrier barrier_id(%barrier3A)
    %dma_wait3A = arith.constant 0 : i32
    %dma_wait3A_18 = arith.constant 0 : i32
    %dma_wait3A_19 = tpu.memref_slice %arg3[%add3A, %dma_wait3A, %dma_wait3A_18] : memref<32x80x128xi32, #tpu.memory_space<hbm>> -> memref<1x1x128xi32, #tpu.memory_space<hbm>>
    %dma_wait3A_20 = tpu.memref_squeeze %dma_wait3A_19 : memref<1x1x128xi32, #tpu.memory_space<hbm>> -> memref<1x128xi32, #tpu.memory_space<hbm>>
    %dma_wait3A_21 = arith.constant 0 : i32
    %dma_wait3A_22 = arith.constant 0 : i32
    %dma_wait3A_23 = tpu.memref_slice %arg3[%add3A, %dma_wait3A_21, %dma_wait3A_22] : memref<32x80x128xi32, #tpu.memory_space<hbm>> -> memref<1x1x128xi32, #tpu.memory_space<hbm>>
    %dma_wait3A_24 = tpu.memref_squeeze %dma_wait3A_23 : memref<1x1x128xi32, #tpu.memory_space<hbm>> -> memref<1x128xi32, #tpu.memory_space<hbm>>
    tpu.wait_dma2 semaphore(%arg13 : memref<!tpu.dma_semaphore, #tpu.memory_space<semaphore_mem>>) src(%dma_wait3A_24 : memref<1x128xi32, #tpu.memory_space<hbm>>) dst(%arg7 : memref<1x128xi32, #tpu.memory_space<vmem>>)
    %dma_start3A_25 = arith.constant 0 : i32
    %dma_start3A_26 = arith.constant 0 : i32
    %dma_start3A_27 = tpu.memref_slice %arg7[%dma_start3A_25, %dma_start3A_26] : memref<1x128xi32, #tpu.memory_space<vmem>> -> memref<1x128xi32, #tpu.memory_space<vmem>>
    %dma_start3A_28 = tpu.memref_squeeze %dma_start3A_27 : memref<1x128xi32, #tpu.memory_space<vmem>> -> memref<128xi32, #tpu.memory_space<vmem>>
    %dma_start3A_29 = arith.constant 0 : i32
    %dma_start3A_30 = arith.constant 0 : i32
    %dma_start3A_31 = tpu.memref_slice %arg2[%dma_start3A_29, %dma_start3A_30] : memref<10240x128xf32, #tpu.memory_space<hbm>> -> memref<10240x128xf32, #tpu.memory_space<hbm>>
    tpu.enqueue_indirect_dma source(%dma_start3A_31 : memref<10240x128xf32, #tpu.memory_space<hbm>>) target(%arg9 : memref<128x128xf32, #tpu.memory_space<vmem>>) offsets(%dma_start3A_28 : memref<128xi32, #tpu.memory_space<vmem>>) semaphore(%arg15 : memref<!tpu.dma_semaphore, #tpu.memory_space<semaphore_mem>>)
    %scan3A = arith.constant 0 : i32
    %scan3A_32 = arith.constant 0 : i32
    %scan3A_33 = arith.constant 40 : i32
    %scan3A_34 = arith.addi %scan3A_32, %scan3A_33 : i32
    %scan3A_35 = arith.constant 1 : i32
    scf.for %scan3A_56 = %scan3A_32 to %scan3A_34 step %scan3A_35  : i32 {
      %mul3A_57 = arith.constant 2 : i32
      %mul3A_58 = arith.muli %scan3A_56, %mul3A_57 : i32
      %dma_wait3A_59 = arith.constant 0 : i32
      %dma_wait3A_60 = arith.constant 0 : i32
      %dma_wait3A_61 = tpu.memref_slice %arg3[%add3A, %dma_wait3A_59, %dma_wait3A_60] : memref<32x80x128xi32, #tpu.memory_space<hbm>> -> memref<1x1x128xi32, #tpu.memory_space<hbm>>
      %dma_wait3A_62 = tpu.memref_squeeze %dma_wait3A_61 : memref<1x1x128xi32, #tpu.memory_space<hbm>> -> memref<1x128xi32, #tpu.memory_space<hbm>>
      %dma_wait3A_63 = arith.constant 0 : i32
      %dma_wait3A_64 = arith.constant 0 : i32
      %dma_wait3A_65 = tpu.memref_slice %arg3[%add3A, %dma_wait3A_63, %dma_wait3A_64] : memref<32x80x128xi32, #tpu.memory_space<hbm>> -> memref<1x1x128xi32, #tpu.memory_space<hbm>>
      %dma_wait3A_66 = tpu.memref_squeeze %dma_wait3A_65 : memref<1x1x128xi32, #tpu.memory_space<hbm>> -> memref<1x128xi32, #tpu.memory_space<hbm>>
      tpu.wait_dma2 semaphore(%arg14 : memref<!tpu.dma_semaphore, #tpu.memory_space<semaphore_mem>>) src(%dma_wait3A_66 : memref<1x128xi32, #tpu.memory_space<hbm>>) dst(%arg8 : memref<1x128xi32, #tpu.memory_space<vmem>>)
      %dma_start3A_67 = arith.constant 0 : i32
      %dma_start3A_68 = arith.constant 0 : i32
      %dma_start3A_69 = tpu.memref_slice %arg8[%dma_start3A_67, %dma_start3A_68] : memref<1x128xi32, #tpu.memory_space<vmem>> -> memref<1x128xi32, #tpu.memory_space<vmem>>
      %dma_start3A_70 = tpu.memref_squeeze %dma_start3A_69 : memref<1x128xi32, #tpu.memory_space<vmem>> -> memref<128xi32, #tpu.memory_space<vmem>>
      %dma_start3A_71 = arith.constant 0 : i32
      %dma_start3A_72 = arith.constant 0 : i32
      %dma_start3A_73 = tpu.memref_slice %arg2[%dma_start3A_71, %dma_start3A_72] : memref<10240x128xf32, #tpu.memory_space<hbm>> -> memref<10240x128xf32, #tpu.memory_space<hbm>>
      tpu.enqueue_indirect_dma source(%dma_start3A_73 : memref<10240x128xf32, #tpu.memory_space<hbm>>) target(%arg10 : memref<128x128xf32, #tpu.memory_space<vmem>>) offsets(%dma_start3A_70 : memref<128xi32, #tpu.memory_space<vmem>>) semaphore(%arg16 : memref<!tpu.dma_semaphore, #tpu.memory_space<semaphore_mem>>)
      %dma_wait3A_74 = arith.constant 0 : i32
      %dma_wait3A_75 = arith.constant 0 : i32
      %dma_wait3A_76 = tpu.memref_slice %arg2[%dma_wait3A_74, %dma_wait3A_75] : memref<10240x128xf32, #tpu.memory_space<hbm>> -> memref<128x128xf32, #tpu.memory_space<hbm>>
      %dma_wait3A_77 = arith.constant 0 : i32
      %dma_wait3A_78 = arith.constant 0 : i32
      %dma_wait3A_79 = tpu.memref_slice %arg2[%dma_wait3A_77, %dma_wait3A_78] : memref<10240x128xf32, #tpu.memory_space<hbm>> -> memref<128x128xf32, #tpu.memory_space<hbm>>
      tpu.wait_dma2 semaphore(%arg15 : memref<!tpu.dma_semaphore, #tpu.memory_space<semaphore_mem>>) src(%dma_wait3A_79 : memref<128x128xf32, #tpu.memory_space<hbm>>) dst(%arg9 : memref<128x128xf32, #tpu.memory_space<vmem>>)
      %add3A_80 = arith.constant 0 : i32
      %add3A_81 = arith.addi %mul3A_58, %add3A_80 : i32
      "tpu.region"() ({
        %run_scoped3A = tpu.sem_alloc : memref<!tpu.dma_semaphore, #tpu.memory_space<semaphore_mem>>
        %dma_start3A_128 = arith.constant 0 : i32
        %dma_start3A_129 = tpu.memref_slice %arg11[%add3A_81, %dma_start3A_128] : memref<80x128xi32, #tpu.memory_space<vmem>> -> memref<1x128xi32, #tpu.memory_space<vmem>>
        %dma_start3A_130 = tpu.memref_squeeze %dma_start3A_129 : memref<1x128xi32, #tpu.memory_space<vmem>> -> memref<128xi32, #tpu.memory_space<vmem>>
        %dma_start3A_131 = arith.constant 0 : i32
        %dma_start3A_132 = arith.constant 0 : i32
        %dma_start3A_133 = tpu.memref_slice %arg12[%dma_start3A_131, %dma_start3A_132] : memref<10240x128xf32, #tpu.memory_space<vmem_shared>> -> memref<10240x128xf32, #tpu.memory_space<vmem_shared>>
        tpu.enqueue_indirect_dma source(%arg9 : memref<128x128xf32, #tpu.memory_space<vmem>>) target(%dma_start3A_133 : memref<10240x128xf32, #tpu.memory_space<vmem_shared>>) offsets(%dma_start3A_130 : memref<128xi32, #tpu.memory_space<vmem>>) semaphore(%run_scoped3A : memref<!tpu.dma_semaphore, #tpu.memory_space<semaphore_mem>>) {add = true}
        %dma_wait3A_134 = arith.constant 0 : i32
        %dma_wait3A_135 = tpu.memref_slice %arg11[%add3A_81, %dma_wait3A_134] : memref<80x128xi32, #tpu.memory_space<vmem>> -> memref<1x128xi32, #tpu.memory_space<vmem>>
        %dma_wait3A_136 = tpu.memref_squeeze %dma_wait3A_135 : memref<1x128xi32, #tpu.memory_space<vmem>> -> memref<128xi32, #tpu.memory_space<vmem>>
        %dma_wait3A_137 = arith.constant 0 : i32
        %dma_wait3A_138 = arith.constant 0 : i32
        %dma_wait3A_139 = tpu.memref_slice %arg12[%dma_wait3A_137, %dma_wait3A_138] : memref<10240x128xf32, #tpu.memory_space<vmem_shared>> -> memref<10240x128xf32, #tpu.memory_space<vmem_shared>>
        tpu.wait_indirect_dma semaphore(%run_scoped3A : memref<!tpu.dma_semaphore, #tpu.memory_space<semaphore_mem>>) src(%arg9 : memref<128x128xf32, #tpu.memory_space<vmem>>) dst(%dma_wait3A_139 : memref<10240x128xf32, #tpu.memory_space<vmem_shared>>)
        tpu.yield
      }) : () -> ()
      %add3A_82 = arith.constant 0 : i32
      %add3A_83 = arith.addi %mul3A_58, %add3A_82 : i32
      %add3A_84 = arith.constant 2 : i32
      %add3A_85 = arith.addi %add3A_83, %add3A_84 : i32
      %min3A = arith.constant 79 : i32
      %min3A_86 = arith.minsi %add3A_85, %min3A : i32
      %dma_start3A_87 = arith.constant 0 : i32
      %dma_start3A_88 = tpu.memref_slice %arg3[%add3A, %min3A_86, %dma_start3A_87] : memref<32x80x128xi32, #tpu.memory_space<hbm>> -> memref<1x1x128xi32, #tpu.memory_space<hbm>>
      %dma_start3A_89 = tpu.memref_squeeze %dma_start3A_88 : memref<1x1x128xi32, #tpu.memory_space<hbm>> -> memref<1x128xi32, #tpu.memory_space<hbm>>
      %dma_start3A_90 = arith.constant 0 : i32
      %dma_start3A_91 = tpu.memref_slice %arg3[%add3A, %min3A_86, %dma_start3A_90] : memref<32x80x128xi32, #tpu.memory_space<hbm>> -> memref<1x1x128xi32, #tpu.memory_space<hbm>>
      %dma_start3A_92 = tpu.memref_squeeze %dma_start3A_91 : memref<1x1x128xi32, #tpu.memory_space<hbm>> -> memref<1x128xi32, #tpu.memory_space<hbm>>
      tpu.enqueue_dma source(%dma_start3A_92 : memref<1x128xi32, #tpu.memory_space<hbm>>) target(%arg7 : memref<1x128xi32, #tpu.memory_space<vmem>>) target_semaphore(%arg13 : memref<!tpu.dma_semaphore, #tpu.memory_space<semaphore_mem>>)
      %dma_wait3A_93 = arith.constant 0 : i32
      %dma_wait3A_94 = arith.constant 0 : i32
      %dma_wait3A_95 = tpu.memref_slice %arg3[%add3A, %dma_wait3A_93, %dma_wait3A_94] : memref<32x80x128xi32, #tpu.memory_space<hbm>> -> memref<1x1x128xi32, #tpu.memory_space<hbm>>
      %dma_wait3A_96 = tpu.memref_squeeze %dma_wait3A_95 : memref<1x1x128xi32, #tpu.memory_space<hbm>> -> memref<1x128xi32, #tpu.memory_space<hbm>>
      %dma_wait3A_97 = arith.constant 0 : i32
      %dma_wait3A_98 = arith.constant 0 : i32
      %dma_wait3A_99 = tpu.memref_slice %arg3[%add3A, %dma_wait3A_97, %dma_wait3A_98] : memref<32x80x128xi32, #tpu.memory_space<hbm>> -> memref<1x1x128xi32, #tpu.memory_space<hbm>>
      %dma_wait3A_100 = tpu.memref_squeeze %dma_wait3A_99 : memref<1x1x128xi32, #tpu.memory_space<hbm>> -> memref<1x128xi32, #tpu.memory_space<hbm>>
      tpu.wait_dma2 semaphore(%arg13 : memref<!tpu.dma_semaphore, #tpu.memory_space<semaphore_mem>>) src(%dma_wait3A_100 : memref<1x128xi32, #tpu.memory_space<hbm>>) dst(%arg7 : memref<1x128xi32, #tpu.memory_space<vmem>>)
      %dma_start3A_101 = arith.constant 0 : i32
      %dma_start3A_102 = arith.constant 0 : i32
      %dma_start3A_103 = tpu.memref_slice %arg7[%dma_start3A_101, %dma_start3A_102] : memref<1x128xi32, #tpu.memory_space<vmem>> -> memref<1x128xi32, #tpu.memory_space<vmem>>
      %dma_start3A_104 = tpu.memref_squeeze %dma_start3A_103 : memref<1x128xi32, #tpu.memory_space<vmem>> -> memref<128xi32, #tpu.memory_space<vmem>>
      %dma_start3A_105 = arith.constant 0 : i32
      %dma_start3A_106 = arith.constant 0 : i32
      %dma_start3A_107 = tpu.memref_slice %arg2[%dma_start3A_105, %dma_start3A_106] : memref<10240x128xf32, #tpu.memory_space<hbm>> -> memref<10240x128xf32, #tpu.memory_space<hbm>>
      tpu.enqueue_indirect_dma source(%dma_start3A_107 : memref<10240x128xf32, #tpu.memory_space<hbm>>) target(%arg9 : memref<128x128xf32, #tpu.memory_space<vmem>>) offsets(%dma_start3A_104 : memref<128xi32, #tpu.memory_space<vmem>>) semaphore(%arg15 : memref<!tpu.dma_semaphore, #tpu.memory_space<semaphore_mem>>)
      %dma_wait3A_108 = arith.constant 0 : i32
      %dma_wait3A_109 = arith.constant 0 : i32
      %dma_wait3A_110 = tpu.memref_slice %arg2[%dma_wait3A_108, %dma_wait3A_109] : memref<10240x128xf32, #tpu.memory_space<hbm>> -> memref<128x128xf32, #tpu.memory_space<hbm>>
      %dma_wait3A_111 = arith.constant 0 : i32
      %dma_wait3A_112 = arith.constant 0 : i32
      %dma_wait3A_113 = tpu.memref_slice %arg2[%dma_wait3A_111, %dma_wait3A_112] : memref<10240x128xf32, #tpu.memory_space<hbm>> -> memref<128x128xf32, #tpu.memory_space<hbm>>
      tpu.wait_dma2 semaphore(%arg16 : memref<!tpu.dma_semaphore, #tpu.memory_space<semaphore_mem>>) src(%dma_wait3A_113 : memref<128x128xf32, #tpu.memory_space<hbm>>) dst(%arg10 : memref<128x128xf32, #tpu.memory_space<vmem>>)
      %add3A_114 = arith.constant 1 : i32
      %add3A_115 = arith.addi %mul3A_58, %add3A_114 : i32
      "tpu.region"() ({
        %run_scoped3A = tpu.sem_alloc : memref<!tpu.dma_semaphore, #tpu.memory_space<semaphore_mem>>
        %dma_start3A_128 = arith.constant 0 : i32
        %dma_start3A_129 = tpu.memref_slice %arg11[%add3A_115, %dma_start3A_128] : memref<80x128xi32, #tpu.memory_space<vmem>> -> memref<1x128xi32, #tpu.memory_space<vmem>>
        %dma_start3A_130 = tpu.memref_squeeze %dma_start3A_129 : memref<1x128xi32, #tpu.memory_space<vmem>> -> memref<128xi32, #tpu.memory_space<vmem>>
        %dma_start3A_131 = arith.constant 0 : i32
        %dma_start3A_132 = arith.constant 0 : i32
        %dma_start3A_133 = tpu.memref_slice %arg12[%dma_start3A_131, %dma_start3A_132] : memref<10240x128xf32, #tpu.memory_space<vmem_shared>> -> memref<10240x128xf32, #tpu.memory_space<vmem_shared>>
        tpu.enqueue_indirect_dma source(%arg10 : memref<128x128xf32, #tpu.memory_space<vmem>>) target(%dma_start3A_133 : memref<10240x128xf32, #tpu.memory_space<vmem_shared>>) offsets(%dma_start3A_130 : memref<128xi32, #tpu.memory_space<vmem>>) semaphore(%run_scoped3A : memref<!tpu.dma_semaphore, #tpu.memory_space<semaphore_mem>>) {add = true}
        %dma_wait3A_134 = arith.constant 0 : i32
        %dma_wait3A_135 = tpu.memref_slice %arg11[%add3A_115, %dma_wait3A_134] : memref<80x128xi32, #tpu.memory_space<vmem>> -> memref<1x128xi32, #tpu.memory_space<vmem>>
        %dma_wait3A_136 = tpu.memref_squeeze %dma_wait3A_135 : memref<1x128xi32, #tpu.memory_space<vmem>> -> memref<128xi32, #tpu.memory_space<vmem>>
        %dma_wait3A_137 = arith.constant 0 : i32
        %dma_wait3A_138 = arith.constant 0 : i32
        %dma_wait3A_139 = tpu.memref_slice %arg12[%dma_wait3A_137, %dma_wait3A_138] : memref<10240x128xf32, #tpu.memory_space<vmem_shared>> -> memref<10240x128xf32, #tpu.memory_space<vmem_shared>>
        tpu.wait_indirect_dma semaphore(%run_scoped3A : memref<!tpu.dma_semaphore, #tpu.memory_space<semaphore_mem>>) src(%arg10 : memref<128x128xf32, #tpu.memory_space<vmem>>) dst(%dma_wait3A_139 : memref<10240x128xf32, #tpu.memory_space<vmem_shared>>)
        tpu.yield
      }) : () -> ()
      %add3A_116 = arith.constant 1 : i32
      %add3A_117 = arith.addi %mul3A_58, %add3A_116 : i32
      %add3A_118 = arith.constant 2 : i32
      %add3A_119 = arith.addi %add3A_117, %add3A_118 : i32
      %min3A_120 = arith.constant 79 : i32
      %min3A_121 = arith.minsi %add3A_119, %min3A_120 : i32
      %dma_start3A_122 = arith.constant 0 : i32
      %dma_start3A_123 = tpu.memref_slice %arg3[%add3A, %min3A_121, %dma_start3A_122] : memref<32x80x128xi32, #tpu.memory_space<hbm>> -> memref<1x1x128xi32, #tpu.memory_space<hbm>>
      %dma_start3A_124 = tpu.memref_squeeze %dma_start3A_123 : memref<1x1x128xi32, #tpu.memory_space<hbm>> -> memref<1x128xi32, #tpu.memory_space<hbm>>
      %dma_start3A_125 = arith.constant 0 : i32
      %dma_start3A_126 = tpu.memref_slice %arg3[%add3A, %min3A_121, %dma_start3A_125] : memref<32x80x128xi32, #tpu.memory_space<hbm>> -> memref<1x1x128xi32, #tpu.memory_space<hbm>>
      %dma_start3A_127 = tpu.memref_squeeze %dma_start3A_126 : memref<1x1x128xi32, #tpu.memory_space<hbm>> -> memref<1x128xi32, #tpu.memory_space<hbm>>
      tpu.enqueue_dma source(%dma_start3A_127 : memref<1x128xi32, #tpu.memory_space<hbm>>) target(%arg8 : memref<1x128xi32, #tpu.memory_space<vmem>>) target_semaphore(%arg14 : memref<!tpu.dma_semaphore, #tpu.memory_space<semaphore_mem>>)
    }
    %scan3A_36 = arith.constant 40 : i32
    %dma_wait3A_37 = arith.constant 0 : i32
    %dma_wait3A_38 = arith.constant 0 : i32
    %dma_wait3A_39 = tpu.memref_slice %arg2[%dma_wait3A_37, %dma_wait3A_38] : memref<10240x128xf32, #tpu.memory_space<hbm>> -> memref<128x128xf32, #tpu.memory_space<hbm>>
    %dma_wait3A_40 = arith.constant 0 : i32
    %dma_wait3A_41 = arith.constant 0 : i32
    %dma_wait3A_42 = tpu.memref_slice %arg2[%dma_wait3A_40, %dma_wait3A_41] : memref<10240x128xf32, #tpu.memory_space<hbm>> -> memref<128x128xf32, #tpu.memory_space<hbm>>
    tpu.wait_dma2 semaphore(%arg15 : memref<!tpu.dma_semaphore, #tpu.memory_space<semaphore_mem>>) src(%dma_wait3A_42 : memref<128x128xf32, #tpu.memory_space<hbm>>) dst(%arg9 : memref<128x128xf32, #tpu.memory_space<vmem>>)
    %dma_wait3A_43 = arith.constant 0 : i32
    %dma_wait3A_44 = arith.constant 0 : i32
    %dma_wait3A_45 = tpu.memref_slice %arg3[%add3A, %dma_wait3A_43, %dma_wait3A_44] : memref<32x80x128xi32, #tpu.memory_space<hbm>> -> memref<1x1x128xi32, #tpu.memory_space<hbm>>
    %dma_wait3A_46 = tpu.memref_squeeze %dma_wait3A_45 : memref<1x1x128xi32, #tpu.memory_space<hbm>> -> memref<1x128xi32, #tpu.memory_space<hbm>>
    %dma_wait3A_47 = arith.constant 0 : i32
    %dma_wait3A_48 = arith.constant 0 : i32
    %dma_wait3A_49 = tpu.memref_slice %arg3[%add3A, %dma_wait3A_47, %dma_wait3A_48] : memref<32x80x128xi32, #tpu.memory_space<hbm>> -> memref<1x1x128xi32, #tpu.memory_space<hbm>>
    %dma_wait3A_50 = tpu.memref_squeeze %dma_wait3A_49 : memref<1x1x128xi32, #tpu.memory_space<hbm>> -> memref<1x128xi32, #tpu.memory_space<hbm>>
    tpu.wait_dma2 semaphore(%arg14 : memref<!tpu.dma_semaphore, #tpu.memory_space<semaphore_mem>>) src(%dma_wait3A_50 : memref<1x128xi32, #tpu.memory_space<hbm>>) dst(%arg8 : memref<1x128xi32, #tpu.memory_space<vmem>>)
    %barrier3A_51 = arith.constant 0 : index
    tpu.barrier barrier_id(%barrier3A_51)
    %mul3A_52 = arith.constant 640 : i32
    %mul3A_53 = arith.muli %arg1, %mul3A_52 : i32
    %mul3A_54 = arith.constant 640 : i32
    %mul3A_55 = arith.muli %arg1, %mul3A_54 : i32
    "tpu.region"() ({
      %run_scoped3A = tpu.sem_alloc : memref<!tpu.dma_semaphore, #tpu.memory_space<semaphore_mem>>
      %dma_start3A_56 = arith.constant 0 : i32
      %dma_start3A_57 = tpu.memref_slice %arg6[%arg0, %mul3A_55, %dma_start3A_56] : memref<2x10240x128xf32, #tpu.memory_space<hbm>> -> memref<1x640x128xf32, #tpu.memory_space<hbm>>
      %dma_start3A_58 = tpu.memref_squeeze %dma_start3A_57 : memref<1x640x128xf32, #tpu.memory_space<hbm>> -> memref<640x128xf32, #tpu.memory_space<hbm>>
      %dma_start3A_59 = arith.constant 0 : i32
      %dma_start3A_60 = tpu.memref_slice %arg12[%mul3A_53, %dma_start3A_59] : memref<10240x128xf32, #tpu.memory_space<vmem_shared>> -> memref<640x128xf32, #tpu.memory_space<vmem_shared>>
      tpu.enqueue_dma source(%dma_start3A_60 : memref<640x128xf32, #tpu.memory_space<vmem_shared>>) target(%dma_start3A_58 : memref<640x128xf32, #tpu.memory_space<hbm>>) target_semaphore(%run_scoped3A : memref<!tpu.dma_semaphore, #tpu.memory_space<semaphore_mem>>)
      %dma_wait3A_61 = arith.constant 0 : i32
      %dma_wait3A_62 = tpu.memref_slice %arg6[%arg0, %mul3A_55, %dma_wait3A_61] : memref<2x10240x128xf32, #tpu.memory_space<hbm>> -> memref<1x640x128xf32, #tpu.memory_space<hbm>>
      %dma_wait3A_63 = tpu.memref_squeeze %dma_wait3A_62 : memref<1x640x128xf32, #tpu.memory_space<hbm>> -> memref<640x128xf32, #tpu.memory_space<hbm>>
      %dma_wait3A_64 = arith.constant 0 : i32
      %dma_wait3A_65 = tpu.memref_slice %arg12[%mul3A_53, %dma_wait3A_64] : memref<10240x128xf32, #tpu.memory_space<vmem_shared>> -> memref<640x128xf32, #tpu.memory_space<vmem_shared>>
      tpu.wait_dma2 semaphore(%run_scoped3A : memref<!tpu.dma_semaphore, #tpu.memory_space<semaphore_mem>>) src(%dma_wait3A_65 : memref<640x128xf32, #tpu.memory_space<vmem_shared>>) dst(%dma_wait3A_63 : memref<640x128xf32, #tpu.memory_space<hbm>>)
      tpu.yield
    }) : () -> ()
    return
  }
}

module attributes {stable_mosaic.version = 14 : i64} {
  func.func @_tc_h1_body(%arg0: i32, %arg1: memref<1024x128xf32, #tpu.memory_space<vmem>>, %arg2: memref<128x128xf32, #tpu.memory_space<vmem>>, %arg3: memref<1024x128xf32, #tpu.memory_space<vmem>>) attributes {dimension_semantics = [#tpu.dimension_semantics<arbitrary>], iteration_bounds = array<i64: 10>, scalar_prefetch = 0 : i64, scratch_operands = 0 : i64, tpu.core_type = #tpu.core_type<tc>, window_params = [{transform_indices = @transform_0, window_bounds = array<i64: 1024, 128>}, {pipeline_mode = #tpu.pipeline_mode<synchronous>, transform_indices = @transform_1, window_bounds = array<i64: 128, 128>}, {transform_indices = @transform_2, window_bounds = array<i64: 1024, 128>}]} {
    %get3A = arith.constant 0 : index
    %get3A_0 = arith.constant 0 : index
    %get3A_1 = vector.load %arg1[%get3A, %get3A_0] : memref<1024x128xf32, #tpu.memory_space<vmem>>, vector<1024x128xf32>
    %get3A_2 = arith.constant 0 : index
    %get3A_3 = arith.constant 0 : index
    %get3A_4 = vector.load %arg2[%get3A_2, %get3A_3] : memref<128x128xf32, #tpu.memory_space<vmem>>, vector<128x128xf32>
    %dot_general3A = arith.constant dense<0.000000e+00> : vector<1024x128xf32>
    %dot_general3A_5 = tpu.matmul %get3A_1, %get3A_4, %dot_general3A {dimension_numbers = #tpu.dot_dimension_numbers<[1], [0], [0], [1], [0, 0, 1, 1], [], []>, transpose_lhs_hint = false} : vector<1024x128xf32>, vector<128x128xf32>, vector<1024x128xf32> -> vector<1024x128xf32>
    %swap3A = arith.constant 0 : index
    %swap3A_6 = arith.constant 0 : index
    %swap3A_7 = vector.load %arg3[%swap3A, %swap3A_6] : memref<1024x128xf32, #tpu.memory_space<vmem>>, vector<1024x128xf32>
    tpu.vector_store %arg3[%swap3A, %swap3A_6], %dot_general3A_5 {strides = array<i32>} : memref<1024x128xf32, #tpu.memory_space<vmem>>, vector<1024x128xf32>,
    return
  }
  func.func @transform_0(%arg0: i32) -> (i32, i32) {
    %c0_i32 = arith.constant 0 : i32
    %c0_i32_0 = arith.constant 0 : i32
    return %arg0, %c0_i32 : i32, i32
  }
  func.func @transform_1(%arg0: i32) -> (i32, i32) {
    %c0_i32 = arith.constant 0 : i32
    %c0_i32_0 = arith.constant 0 : i32
    %c0_i32_1 = arith.constant 0 : i32
    return %c0_i32, %c0_i32_0 : i32, i32
  }
  func.func @transform_2(%arg0: i32) -> (i32, i32) {
    %c0_i32 = arith.constant 0 : i32
    %c0_i32_0 = arith.constant 0 : i32
    return %arg0, %c0_i32 : i32, i32
  }
}

module attributes {stable_mosaic.version = 14 : i64} {
  func.func @_tc_u1_body(%arg0: i32, %arg1: memref<2x1024x128xf32, #tpu.memory_space<vmem>>, %arg2: memref<1024x128xf32, #tpu.memory_space<vmem>>, %arg3: memref<1024x128xf32, #tpu.memory_space<vmem>>) attributes {dimension_semantics = [#tpu.dimension_semantics<arbitrary>], iteration_bounds = array<i64: 10>, scalar_prefetch = 0 : i64, scratch_operands = 0 : i64, tpu.core_type = #tpu.core_type<tc>, window_params = [{transform_indices = @transform_0, window_bounds = array<i64: 2, 1024, 128>}, {transform_indices = @transform_1, window_bounds = array<i64: 1024, 128>}, {transform_indices = @transform_2, window_bounds = array<i64: 1024, 128>}]} {
    %get3A = arith.constant 0 : index
    %get3A_0 = arith.constant 0 : index
    %get3A_1 = arith.constant 0 : index
    %get3A_2 = vector.load %arg1[%get3A, %get3A_0, %get3A_1] : memref<2x1024x128xf32, #tpu.memory_space<vmem>>, vector<2x1024x128xf32>
    %slice3A = vector.extract_strided_slice %get3A_2 {offsets = [0, 0, 0], sizes = [1, 1024, 1], strides = [1, 1, 1]} : vector<2x1024x128xf32> to vector<1x1024x1xf32>
    %squeeze3A = vector.shape_cast %slice3A : vector<1x1024x1xf32> to vector<1024x1xf32>
    %slice3A_3 = vector.extract_strided_slice %get3A_2 {offsets = [1, 0, 0], sizes = [1, 1024, 1], strides = [1, 1, 1]} : vector<2x1024x128xf32> to vector<1x1024x1xf32>
    %squeeze3A_4 = vector.shape_cast %slice3A_3 : vector<1x1024x1xf32> to vector<1024x1xf32>
    %add3A = arith.addf %squeeze3A, %squeeze3A_4 : vector<1024x1xf32>
    %add3A_5 = arith.constant 1.000000e+00 : f32
    %add3A_6 = vector.broadcast %add3A_5 : f32 to vector<1024x1xf32>
    %add3A_7 = arith.addf %add3A, %add3A_6 : vector<1024x1xf32>
    %rsqrt3A = math.rsqrt %add3A_7 : vector<1024x1xf32>
    %get3A_8 = arith.constant 0 : index
    %get3A_9 = arith.constant 0 : index
    %get3A_10 = vector.load %arg2[%get3A_8, %get3A_9] : memref<1024x128xf32, #tpu.memory_space<vmem>>, vector<1024x128xf32>
    %mul3A = vector.broadcast %rsqrt3A : vector<1024x1xf32> to vector<1024x128xf32>
    %mul3A_11 = arith.mulf %mul3A, %get3A_10 : vector<1024x128xf32>
    %swap3A = arith.constant 0 : index
    %swap3A_12 = arith.constant 0 : index
    %swap3A_13 = vector.load %arg3[%swap3A, %swap3A_12] : memref<1024x128xf32, #tpu.memory_space<vmem>>, vector<1024x128xf32>
    tpu.vector_store %arg3[%swap3A, %swap3A_12], %mul3A_11 {strides = array<i32>} : memref<1024x128xf32, #tpu.memory_space<vmem>>, vector<1024x128xf32>,
    return
  }
  func.func @transform_0(%arg0: i32) -> (i32, i32, i32) {
    %c0_i32 = arith.constant 0 : i32
    %c0_i32_0 = arith.constant 0 : i32
    %c0_i32_1 = arith.constant 0 : i32
    return %c0_i32, %arg0, %c0_i32_0 : i32, i32, i32
  }
  func.func @transform_1(%arg0: i32) -> (i32, i32) {
    %c0_i32 = arith.constant 0 : i32
    %c0_i32_0 = arith.constant 0 : i32
    return %arg0, %c0_i32 : i32, i32
  }
  func.func @transform_2(%arg0: i32) -> (i32, i32) {
    %c0_i32 = arith.constant 0 : i32
    %c0_i32_0 = arith.constant 0 : i32
    return %arg0, %c0_i32 : i32, i32
  }
}

module attributes {stable_mosaic.version = 14 : i64} {
  func.func @_tc_mid_body(%arg0: i32, %arg1: memref<2x1024x128xf32, #tpu.memory_space<vmem>>, %arg2: memref<2x1024x128xf32, #tpu.memory_space<vmem>>, %arg3: memref<1024x128xf32, #tpu.memory_space<vmem>>, %arg4: memref<1x128xf32, #tpu.memory_space<vmem>>, %arg5: memref<128x128xf32, #tpu.memory_space<vmem>>, %arg6: memref<1024x128xf32, #tpu.memory_space<vmem>>) attributes {dimension_semantics = [#tpu.dimension_semantics<arbitrary>], iteration_bounds = array<i64: 10>, scalar_prefetch = 0 : i64, scratch_operands = 0 : i64, tpu.core_type = #tpu.core_type<tc>, window_params = [{transform_indices = @transform_0, window_bounds = array<i64: 2, 1024, 128>}, {transform_indices = @transform_1, window_bounds = array<i64: 2, 1024, 128>}, {transform_indices = @transform_2, window_bounds = array<i64: 1024, 128>}, {pipeline_mode = #tpu.pipeline_mode<synchronous>, transform_indices = @transform_3, window_bounds = array<i64: 1, 128>}, {pipeline_mode = #tpu.pipeline_mode<synchronous>, transform_indices = @transform_4, window_bounds = array<i64: 128, 128>}, {transform_indices = @transform_5, window_bounds = array<i64: 1024, 128>}]} {
    %get3A = arith.constant 0 : index
    %get3A_0 = arith.constant 0 : index
    %get3A_1 = arith.constant 0 : index
    %get3A_2 = vector.load %arg1[%get3A, %get3A_0, %get3A_1] : memref<2x1024x128xf32, #tpu.memory_space<vmem>>, vector<2x1024x128xf32>
    %slice3A = vector.extract_strided_slice %get3A_2 {offsets = [0, 0, 0], sizes = [1, 1024, 1], strides = [1, 1, 1]} : vector<2x1024x128xf32> to vector<1x1024x1xf32>
    %squeeze3A = vector.shape_cast %slice3A : vector<1x1024x1xf32> to vector<1024x1xf32>
    %slice3A_3 = vector.extract_strided_slice %get3A_2 {offsets = [1, 0, 0], sizes = [1, 1024, 1], strides = [1, 1, 1]} : vector<2x1024x128xf32> to vector<1x1024x1xf32>
    %squeeze3A_4 = vector.shape_cast %slice3A_3 : vector<1x1024x1xf32> to vector<1024x1xf32>
    %add3A = arith.addf %squeeze3A, %squeeze3A_4 : vector<1024x1xf32>
    %add3A_5 = arith.constant 1.000000e+00 : f32
    %add3A_6 = vector.broadcast %add3A_5 : f32 to vector<1024x1xf32>
    %add3A_7 = arith.addf %add3A, %add3A_6 : vector<1024x1xf32>
    %rsqrt3A = math.rsqrt %add3A_7 : vector<1024x1xf32>
    %get3A_8 = arith.constant 0 : index
    %get3A_9 = arith.constant 0 : index
    %get3A_10 = arith.constant 0 : index
    %get3A_11 = vector.load %arg2[%get3A_8, %get3A_9, %get3A_10] : memref<2x1024x128xf32, #tpu.memory_space<vmem>>, vector<2x1024x128xf32>
    %slice3A_12 = vector.extract_strided_slice %get3A_11 {offsets = [0, 0, 0], sizes = [1, 1024, 128], strides = [1, 1, 1]} : vector<2x1024x128xf32> to vector<1x1024x128xf32>
    %squeeze3A_13 = vector.shape_cast %slice3A_12 : vector<1x1024x128xf32> to vector<1024x128xf32>
    %slice3A_14 = vector.extract_strided_slice %get3A_11 {offsets = [1, 0, 0], sizes = [1, 1024, 128], strides = [1, 1, 1]} : vector<2x1024x128xf32> to vector<1x1024x128xf32>
    %squeeze3A_15 = vector.shape_cast %slice3A_14 : vector<1x1024x128xf32> to vector<1024x128xf32>
    %add3A_16 = arith.addf %squeeze3A_13, %squeeze3A_15 : vector<1024x128xf32>
    %get3A_17 = arith.constant 0 : index
    %get3A_18 = arith.constant 0 : index
    %get3A_19 = vector.load %arg3[%get3A_17, %get3A_18] : memref<1024x128xf32, #tpu.memory_space<vmem>>, vector<1024x128xf32>
    %add3A_20 = arith.addf %add3A_16, %get3A_19 : vector<1024x128xf32>
    %mul3A = vector.broadcast %rsqrt3A : vector<1024x1xf32> to vector<1024x128xf32>
    %mul3A_21 = arith.mulf %mul3A, %add3A_20 : vector<1024x128xf32>
    %get3A_22 = arith.constant 0 : index
    %get3A_23 = arith.constant 0 : index
    %get3A_24 = vector.load %arg4[%get3A_22, %get3A_23] : memref<1x128xf32, #tpu.memory_space<vmem>>, vector<1x128xf32>
    %add3A_25 = vector.broadcast %get3A_24 : vector<1x128xf32> to vector<1024x128xf32>
    %add3A_26 = arith.addf %mul3A_21, %add3A_25 : vector<1024x128xf32>
    %max3A = arith.constant 0.000000e+00 : f32
    %max3A_27 = vector.broadcast %max3A : f32 to vector<1024x128xf32>
    %max3A_28 = arith.maximumf %add3A_26, %max3A_27 : vector<1024x128xf32>
    %iota3A = tpu.iota {dimensions = array<i32: 0>} : vector<1024x1xi32>
    %mul3A_29 = arith.constant 1024 : i32
    %mul3A_30 = arith.muli %arg0, %mul3A_29 : i32
    %add3A_31 = vector.broadcast %mul3A_30 : i32 to vector<1024x1xi32>
    %add3A_32 = arith.addi %iota3A, %add3A_31 : vector<1024x1xi32>
    %lt3A = arith.constant 10000 : i32
    %lt3A_33 = vector.broadcast %lt3A : i32 to vector<1024x1xi32>
    %lt3A_34 = arith.cmpi slt, %add3A_32, %lt3A_33 : vector<1024x1xi32>
    %jit3A = arith.constant 0.000000e+00 : f32
    %broadcast_in_dim3A = vector.shape_cast %lt3A_34 : vector<1024x1xi1> to vector<1024x1xi1>
    %broadcast_in_dim3A_35 = vector.broadcast %broadcast_in_dim3A : vector<1024x1xi1> to vector<1024x128xi1>
    %broadcast_in_dim3A_36 = vector.broadcast %jit3A : f32 to vector<1024x128xf32>
    %select_n3A = arith.select %broadcast_in_dim3A_35, %max3A_28, %broadcast_in_dim3A_36 : vector<1024x128xi1>, vector<1024x128xf32>
    %get3A_37 = arith.constant 0 : index
    %get3A_38 = arith.constant 0 : index
    %get3A_39 = vector.load %arg5[%get3A_37, %get3A_38] : memref<128x128xf32, #tpu.memory_space<vmem>>, vector<128x128xf32>
    %dot_general3A = arith.constant dense<0.000000e+00> : vector<1024x128xf32>
    %dot_general3A_40 = tpu.matmul %select_n3A, %get3A_39, %dot_general3A {dimension_numbers = #tpu.dot_dimension_numbers<[1], [0], [0], [1], [0, 0, 1, 1], [], []>, transpose_lhs_hint = false} : vector<1024x128xf32>, vector<128x128xf32>, vector<1024x128xf32> -> vector<1024x128xf32>
    %mul3A_41 = vector.broadcast %rsqrt3A : vector<1024x1xf32> to vector<1024x128xf32>
    %mul3A_42 = arith.mulf %mul3A_41, %dot_general3A_40 : vector<1024x128xf32>
    %swap3A = arith.constant 0 : index
    %swap3A_43 = arith.constant 0 : index
    %swap3A_44 = vector.load %arg6[%swap3A, %swap3A_43] : memref<1024x128xf32, #tpu.memory_space<vmem>>, vector<1024x128xf32>
    tpu.vector_store %arg6[%swap3A, %swap3A_43], %mul3A_42 {strides = array<i32>} : memref<1024x128xf32, #tpu.memory_space<vmem>>, vector<1024x128xf32>,
    return
  }
  func.func @transform_0(%arg0: i32) -> (i32, i32, i32) {
    %c0_i32 = arith.constant 0 : i32
    %c0_i32_0 = arith.constant 0 : i32
    %c0_i32_1 = arith.constant 0 : i32
    return %c0_i32, %arg0, %c0_i32_0 : i32, i32, i32
  }
  func.func @transform_1(%arg0: i32) -> (i32, i32, i32) {
    %c0_i32 = arith.constant 0 : i32
    %c0_i32_0 = arith.constant 0 : i32
    %c0_i32_1 = arith.constant 0 : i32
    return %c0_i32, %arg0, %c0_i32_0 : i32, i32, i32
  }
  func.func @transform_2(%arg0: i32) -> (i32, i32) {
    %c0_i32 = arith.constant 0 : i32
    %c0_i32_0 = arith.constant 0 : i32
    return %arg0, %c0_i32 : i32, i32
  }
  func.func @transform_3(%arg0: i32) -> (i32, i32) {
    %c0_i32 = arith.constant 0 : i32
    %c0_i32_0 = arith.constant 0 : i32
    %c0_i32_1 = arith.constant 0 : i32
    return %c0_i32, %c0_i32_0 : i32, i32
  }
  func.func @transform_4(%arg0: i32) -> (i32, i32) {
    %c0_i32 = arith.constant 0 : i32
    %c0_i32_0 = arith.constant 0 : i32
    %c0_i32_1 = arith.constant 0 : i32
    return %c0_i32, %c0_i32_0 : i32, i32
  }
  func.func @transform_5(%arg0: i32) -> (i32, i32) {
    %c0_i32 = arith.constant 0 : i32
    %c0_i32_0 = arith.constant 0 : i32
    return %arg0, %c0_i32 : i32, i32
  }
}

module attributes {stable_mosaic.version = 14 : i64} {
  func.func @_tc_final_body(%arg0: i32, %arg1: memref<2x1024x128xf32, #tpu.memory_space<vmem>>, %arg2: memref<2x1024x128xf32, #tpu.memory_space<vmem>>, %arg3: memref<1024x128xf32, #tpu.memory_space<vmem>>, %arg4: memref<1x128xf32, #tpu.memory_space<vmem>>, %arg5: memref<1x1x1024xi32, #tpu.memory_space<vmem>>, %arg6: memref<128x64xf32, #tpu.memory_space<vmem>>, %arg7: memref<1x64xf32, #tpu.memory_space<vmem>>, %arg8: memref<128x64xf32, #tpu.memory_space<vmem>>, %arg9: memref<128x128xf32, #tpu.memory_space<vmem>>, %arg10: memref<128x128xf32, #tpu.memory_space<vmem>>) attributes {dimension_semantics = [#tpu.dimension_semantics<arbitrary>], iteration_bounds = array<i64: 10>, scalar_prefetch = 0 : i64, scratch_operands = 2 : i64, tpu.core_type = #tpu.core_type<tc>, window_params = [{transform_indices = @transform_0, window_bounds = array<i64: 2, 1024, 128>}, {transform_indices = @transform_1, window_bounds = array<i64: 2, 1024, 128>}, {transform_indices = @transform_2, window_bounds = array<i64: 1024, 128>}, {pipeline_mode = #tpu.pipeline_mode<synchronous>, transform_indices = @transform_3, window_bounds = array<i64: 1, 128>}, {transform_indices = @transform_4, window_bounds = array<i64: 1, 1, 1024>}, {pipeline_mode = #tpu.pipeline_mode<synchronous>, transform_indices = @transform_5, window_bounds = array<i64: 128, 64>}, {pipeline_mode = #tpu.pipeline_mode<synchronous>, transform_indices = @transform_6, window_bounds = array<i64: 1, 64>}, {pipeline_mode = #tpu.pipeline_mode<synchronous>, transform_indices = @transform_7, window_bounds = array<i64: 128, 64>}]} {
    %get3A = arith.constant 0 : index
    %get3A_0 = arith.constant 0 : index
    %get3A_1 = arith.constant 0 : index
    %get3A_2 = vector.load %arg1[%get3A, %get3A_0, %get3A_1] : memref<2x1024x128xf32, #tpu.memory_space<vmem>>, vector<2x1024x128xf32>
    %slice3A = vector.extract_strided_slice %get3A_2 {offsets = [0, 0, 0], sizes = [1, 1024, 1], strides = [1, 1, 1]} : vector<2x1024x128xf32> to vector<1x1024x1xf32>
    %squeeze3A = vector.shape_cast %slice3A : vector<1x1024x1xf32> to vector<1024x1xf32>
    %slice3A_3 = vector.extract_strided_slice %get3A_2 {offsets = [1, 0, 0], sizes = [1, 1024, 1], strides = [1, 1, 1]} : vector<2x1024x128xf32> to vector<1x1024x1xf32>
    %squeeze3A_4 = vector.shape_cast %slice3A_3 : vector<1x1024x1xf32> to vector<1024x1xf32>
    %add3A = arith.addf %squeeze3A, %squeeze3A_4 : vector<1024x1xf32>
    %add3A_5 = arith.constant 1.000000e+00 : f32
    %add3A_6 = vector.broadcast %add3A_5 : f32 to vector<1024x1xf32>
    %add3A_7 = arith.addf %add3A, %add3A_6 : vector<1024x1xf32>
    %rsqrt3A = math.rsqrt %add3A_7 : vector<1024x1xf32>
    %get3A_8 = arith.constant 0 : index
    %get3A_9 = arith.constant 0 : index
    %get3A_10 = arith.constant 0 : index
    %get3A_11 = vector.load %arg2[%get3A_8, %get3A_9, %get3A_10] : memref<2x1024x128xf32, #tpu.memory_space<vmem>>, vector<2x1024x128xf32>
    %slice3A_12 = vector.extract_strided_slice %get3A_11 {offsets = [0, 0, 0], sizes = [1, 1024, 128], strides = [1, 1, 1]} : vector<2x1024x128xf32> to vector<1x1024x128xf32>
    %squeeze3A_13 = vector.shape_cast %slice3A_12 : vector<1x1024x128xf32> to vector<1024x128xf32>
    %slice3A_14 = vector.extract_strided_slice %get3A_11 {offsets = [1, 0, 0], sizes = [1, 1024, 128], strides = [1, 1, 1]} : vector<2x1024x128xf32> to vector<1x1024x128xf32>
    %squeeze3A_15 = vector.shape_cast %slice3A_14 : vector<1x1024x128xf32> to vector<1024x128xf32>
    %add3A_16 = arith.addf %squeeze3A_13, %squeeze3A_15 : vector<1024x128xf32>
    %get3A_17 = arith.constant 0 : index
    %get3A_18 = arith.constant 0 : index
    %get3A_19 = vector.load %arg3[%get3A_17, %get3A_18] : memref<1024x128xf32, #tpu.memory_space<vmem>>, vector<1024x128xf32>
    %add3A_20 = arith.addf %add3A_16, %get3A_19 : vector<1024x128xf32>
    %mul3A = vector.broadcast %rsqrt3A : vector<1024x1xf32> to vector<1024x128xf32>
    %mul3A_21 = arith.mulf %mul3A, %add3A_20 : vector<1024x128xf32>
    %get3A_22 = arith.constant 0 : index
    %get3A_23 = arith.constant 0 : index
    %get3A_24 = vector.load %arg4[%get3A_22, %get3A_23] : memref<1x128xf32, #tpu.memory_space<vmem>>, vector<1x128xf32>
    %add3A_25 = vector.broadcast %get3A_24 : vector<1x128xf32> to vector<1024x128xf32>
    %add3A_26 = arith.addf %mul3A_21, %add3A_25 : vector<1024x128xf32>
    %get3A_27 = arith.constant 0 : index
    %get3A_28 = arith.constant 0 : index
    %get3A_29 = arith.constant 0 : index
    %get3A_30 = vector.load %arg5[%get3A_27, %get3A_28, %get3A_29] : memref<1x1x1024xi32, #tpu.memory_space<vmem>>, vector<1x1x1024xi32>
    %get3A_31 = vector.shape_cast %get3A_30 : vector<1x1x1024xi32> to vector<1x1024xi32>
    %iota3A = tpu.iota {dimensions = array<i32: 0>} : vector<128x1024xi32>
    %eq3A = vector.broadcast %get3A_31 : vector<1x1024xi32> to vector<128x1024xi32>
    %eq3A_32 = arith.cmpi eq, %iota3A, %eq3A : vector<128x1024xi32>
    %convert_element_type3A = arith.extui %eq3A_32 : vector<128x1024xi1> to vector<128x1024xi32>
    %convert_element_type3A_33 = arith.sitofp %convert_element_type3A : vector<128x1024xi32> to vector<128x1024xf32>
    %eq3A_34 = arith.constant 0 : i32
    %eq3A_35 = arith.cmpi eq, %arg0, %eq3A_34 : i32
    %convert_element_type3A_36 = arith.extui %eq3A_35 : i1 to i32
    %cond3A = arith.constant 0 : i32
    %cond3A_37 = arith.cmpi ne, %convert_element_type3A_36, %cond3A : i32
    scf.if %cond3A_37 {
      %broadcast_in_dim3A_60 = arith.constant 0.000000e+00 : f32
      %broadcast_in_dim3A_61 = vector.broadcast %broadcast_in_dim3A_60 : f32 to vector<128x128xf32>
      %swap3A_62 = arith.constant 0 : index
      %swap3A_63 = arith.constant 0 : index
      %swap3A_64 = vector.load %arg9[%swap3A_62, %swap3A_63] : memref<128x128xf32, #tpu.memory_space<vmem>>, vector<128x128xf32>
      tpu.vector_store %arg9[%swap3A_62, %swap3A_63], %broadcast_in_dim3A_61 {strides = array<i32>} : memref<128x128xf32, #tpu.memory_space<vmem>>, vector<128x128xf32>,
      %broadcast_in_dim3A_65 = arith.constant 0.000000e+00 : f32
      %broadcast_in_dim3A_66 = vector.broadcast %broadcast_in_dim3A_65 : f32 to vector<128x128xf32>
      %swap3A_67 = arith.constant 0 : index
      %swap3A_68 = arith.constant 0 : index
      %swap3A_69 = vector.load %arg10[%swap3A_67, %swap3A_68] : memref<128x128xf32, #tpu.memory_space<vmem>>, vector<128x128xf32>
      tpu.vector_store %arg10[%swap3A_67, %swap3A_68], %broadcast_in_dim3A_66 {strides = array<i32>} : memref<128x128xf32, #tpu.memory_space<vmem>>, vector<128x128xf32>,
    } else {
    }
    %get3A_38 = arith.constant 0 : index
    %get3A_39 = arith.constant 0 : index
    %get3A_40 = vector.load %arg9[%get3A_38, %get3A_39] : memref<128x128xf32, #tpu.memory_space<vmem>>, vector<128x128xf32>
    %dot_general3A = arith.constant dense<0.000000e+00> : vector<128x128xf32>
    %dot_general3A_41 = tpu.matmul %convert_element_type3A_33, %add3A_26, %dot_general3A {dimension_numbers = #tpu.dot_dimension_numbers<[1], [0], [0], [1], [0, 0, 1, 1], [], []>, transpose_lhs_hint = false} : vector<128x1024xf32>, vector<1024x128xf32>, vector<128x128xf32> -> vector<128x128xf32>
    %add3A_42 = arith.addf %get3A_40, %dot_general3A_41 : vector<128x128xf32>
    %swap3A = arith.constant 0 : index
    %swap3A_43 = arith.constant 0 : index
    %swap3A_44 = vector.load %arg9[%swap3A, %swap3A_43] : memref<128x128xf32, #tpu.memory_space<vmem>>, vector<128x128xf32>
    tpu.vector_store %arg9[%swap3A, %swap3A_43], %add3A_42 {strides = array<i32>} : memref<128x128xf32, #tpu.memory_space<vmem>>, vector<128x128xf32>,
    %get3A_45 = arith.constant 0 : index
    %get3A_46 = arith.constant 0 : index
    %get3A_47 = vector.load %arg10[%get3A_45, %get3A_46] : memref<128x128xf32, #tpu.memory_space<vmem>>, vector<128x128xf32>
    %broadcast_in_dim3A = arith.constant 1.000000e+00 : f32
    %broadcast_in_dim3A_48 = vector.broadcast %broadcast_in_dim3A : f32 to vector<1024x128xf32>
    %dot_general3A_49 = arith.constant dense<0.000000e+00> : vector<128x128xf32>
    %dot_general3A_50 = tpu.matmul %convert_element_type3A_33, %broadcast_in_dim3A_48, %dot_general3A_49 {dimension_numbers = #tpu.dot_dimension_numbers<[1], [0], [0], [1], [0, 0, 1, 1], [], []>, transpose_lhs_hint = false} : vector<128x1024xf32>, vector<1024x128xf32>, vector<128x128xf32> -> vector<128x128xf32>
    %add3A_51 = arith.addf %get3A_47, %dot_general3A_50 : vector<128x128xf32>
    %swap3A_52 = arith.constant 0 : index
    %swap3A_53 = arith.constant 0 : index
    %swap3A_54 = vector.load %arg10[%swap3A_52, %swap3A_53] : memref<128x128xf32, #tpu.memory_space<vmem>>, vector<128x128xf32>
    tpu.vector_store %arg10[%swap3A_52, %swap3A_53], %add3A_51 {strides = array<i32>} : memref<128x128xf32, #tpu.memory_space<vmem>>, vector<128x128xf32>,
    %eq3A_55 = arith.constant 9 : i32
    %eq3A_56 = arith.cmpi eq, %arg0, %eq3A_55 : i32
    %convert_element_type3A_57 = arith.extui %eq3A_56 : i1 to i32
    %cond3A_58 = arith.constant 0 : i32
    %cond3A_59 = arith.cmpi ne, %convert_element_type3A_57, %cond3A_58 : i32
    scf.if %cond3A_59 {
      %get3A_60 = arith.constant 0 : index
      %get3A_61 = arith.constant 0 : index
      %get3A_62 = vector.load %arg9[%get3A_60, %get3A_61] : memref<128x128xf32, #tpu.memory_space<vmem>>, vector<128x128xf32>
      %get3A_63 = arith.constant 0 : index
      %get3A_64 = arith.constant 0 : index
      %get3A_65 = vector.load %arg10[%get3A_63, %get3A_64] : memref<128x128xf32, #tpu.memory_space<vmem>>, vector<128x128xf32>
      %max3A = arith.constant 1.000000e+00 : f32
      %max3A_66 = vector.broadcast %max3A : f32 to vector<128x128xf32>
      %max3A_67 = arith.maximumf %get3A_65, %max3A_66 : vector<128x128xf32>
      %div3A = arith.divf %get3A_62, %max3A_67 : vector<128x128xf32>
      %get3A_68 = arith.constant 0 : index
      %get3A_69 = arith.constant 0 : index
      %get3A_70 = vector.load %arg6[%get3A_68, %get3A_69] : memref<128x64xf32, #tpu.memory_space<vmem>>, vector<128x64xf32>
      %dot_general3A_71 = arith.constant dense<0.000000e+00> : vector<128x64xf32>
      %dot_general3A_72 = tpu.matmul %div3A, %get3A_70, %dot_general3A_71 {dimension_numbers = #tpu.dot_dimension_numbers<[1], [0], [0], [1], [0, 0, 1, 1], [], []>, transpose_lhs_hint = false} : vector<128x128xf32>, vector<128x64xf32>, vector<128x64xf32> -> vector<128x64xf32>
      %get3A_73 = arith.constant 0 : index
      %get3A_74 = arith.constant 0 : index
      %get3A_75 = vector.load %arg7[%get3A_73, %get3A_74] : memref<1x64xf32, #tpu.memory_space<vmem>>, vector<1x64xf32>
      %add3A_76 = vector.broadcast %get3A_75 : vector<1x64xf32> to vector<128x64xf32>
      %add3A_77 = arith.addf %dot_general3A_72, %add3A_76 : vector<128x64xf32>
      %max3A_78 = arith.constant 0.000000e+00 : f32
      %max3A_79 = vector.broadcast %max3A_78 : f32 to vector<128x64xf32>
      %max3A_80 = arith.maximumf %add3A_77, %max3A_79 : vector<128x64xf32>
      %swap3A_81 = arith.constant 0 : index
      %swap3A_82 = arith.constant 0 : index
      %swap3A_83 = vector.load %arg8[%swap3A_81, %swap3A_82] : memref<128x64xf32, #tpu.memory_space<vmem>>, vector<128x64xf32>
      tpu.vector_store %arg8[%swap3A_81, %swap3A_82], %max3A_80 {strides = array<i32>} : memref<128x64xf32, #tpu.memory_space<vmem>>, vector<128x64xf32>,
    } else {
    }
    return
  }
  func.func @transform_0(%arg0: i32) -> (i32, i32, i32) {
    %c0_i32 = arith.constant 0 : i32
    %c0_i32_0 = arith.constant 0 : i32
    %c0_i32_1 = arith.constant 0 : i32
    return %c0_i32, %arg0, %c0_i32_0 : i32, i32, i32
  }
  func.func @transform_1(%arg0: i32) -> (i32, i32, i32) {
    %c0_i32 = arith.constant 0 : i32
    %c0_i32_0 = arith.constant 0 : i32
    %c0_i32_1 = arith.constant 0 : i32
    return %c0_i32, %arg0, %c0_i32_0 : i32, i32, i32
  }
  func.func @transform_2(%arg0: i32) -> (i32, i32) {
    %c0_i32 = arith.constant 0 : i32
    %c0_i32_0 = arith.constant 0 : i32
    return %arg0, %c0_i32 : i32, i32
  }
  func.func @transform_3(%arg0: i32) -> (i32, i32) {
    %c0_i32 = arith.constant 0 : i32
    %c0_i32_0 = arith.constant 0 : i32
    %c0_i32_1 = arith.constant 0 : i32
    return %c0_i32, %c0_i32_0 : i32, i32
  }
  func.func @transform_4(%arg0: i32) -> (i32, i32, i32) {
    %c0_i32 = arith.constant 0 : i32
    %c0_i32_0 = arith.constant 0 : i32
    %c0_i32_1 = arith.constant 0 : i32
    return %arg0, %c0_i32, %c0_i32_0 : i32, i32, i32
  }
  func.func @transform_5(%arg0: i32) -> (i32, i32) {
    %c0_i32 = arith.constant 0 : i32
    %c0_i32_0 = arith.constant 0 : i32
    %c0_i32_1 = arith.constant 0 : i32
    return %c0_i32, %c0_i32_0 : i32, i32
  }
  func.func @transform_6(%arg0: i32) -> (i32, i32) {
    %c0_i32 = arith.constant 0 : i32
    %c0_i32_0 = arith.constant 0 : i32
    %c0_i32_1 = arith.constant 0 : i32
    return %c0_i32, %c0_i32_0 : i32, i32
  }
  func.func @transform_7(%arg0: i32) -> (i32, i32) {
    %c0_i32 = arith.constant 0 : i32
    %c0_i32_0 = arith.constant 0 : i32
    %c0_i32_1 = arith.constant 0 : i32
    return %c0_i32, %c0_i32_0 : i32, i32
  }
}

</mosaic_0001>

<sc_bundles>
// kernel: kernel.12.cloned.1.call-start
scs
__scs_entry_jumppad:
0x0: {  	(pc) =	sbr.rel $0x88, $3  }
0x1: {  	(tag) =	ssettag $0x0;
	lr =	simm.s32 $0x1  }
0x2: {  	[smem:$0x3F98] =	sst lr;
	_ =	strace $0xD0000000  }
0x3: {  	_ = 	snop  }
0x4: {  	_ = 	snop  }
0x5: {  	_ = 	snop  }
0x6: {  	_ = 	snop  }
0x7: {  	_ = 	snop  }
__scs_overlays_trampoline_lowered:
0x8: {  	[smem:$0x3FA7] =	sst s0  }
0x9: {  	[smem:$0x3FA8] =	sst s1  }
0xa: {  	[smem:$0x3FA9] =	sst s2  }
0xb: {  	[smem:$0x3FAA] =	sst s3  }
0xc: {  	[smem:$0x3FAB] =	sst s4  }
0xd: {  	[smem:$0x3FAC] =	sst s5  }
0xe: {  	[smem:$0x3FAD] =	sst s6  }
0xf: {  	[smem:$0x3FAE] =	sst s7  }
0x10: {  	[smem:$0x3FAF] =	sst s8  }
0x11: {  	[smem:$0x3FB0] =	sst s9;
	s0 =	simm.s32 @!p0 $0x0  }
0x12: {  	s1 =	sld [smem:$0x3F96];
	s0 =	simm.s32 @p0 $0x1  }
0x13: {  	[smem:$0x3FB1] =	sst s0;
	s0 =	simm.s32 @!p1 $0x0  }
0x14: {  	s2 =	sld [smem:$0x3F95];
	s0 =	simm.s32 @p1 $0x1  }
0x15: {  	[smem:$0x3FB2] =	sst s0;
	s0 =	simm.s32 @!p2 $0x0  }
0x16: {  	s3 =	sld [smem:$0x3FDB];
	s0 =	simm.s32 @p2 $0x1  }
0x17: {  	s4 =	simm.s32 $0x1BF5;
	[smem:$0x3FB4] =	sst s0  }
0x18: {  	s0 =	sld [smem:$0x3F97];
	_ =	swait.ge [sflag:s4], $0x0  }
0x19: {  	s7 =	sld [smem:$0x3F98]  }
0x1a: {  	s8 =	sadd.s32 $0xFFFFE003, lr  }
0x1b: {  	s9 =	sadd.s32 $0xFFFFFEF7, lr;
	s5 =	simm.s32 $0xFFFFFFFF;
	p2 =	slt.u32 s8, $0xFFFFF086  }
0x1c: {  	p1 =	slt.u32 s9, $0xF7A;
	s5 =	simm.s32 @!p2 $0x0  }
0x1d: {  	s5 =	simm.s32 @p1 $0x1;
	p0 =	seq.s32 s7, s2  }
0x1e: {  	s7 =	smul.u32 @!p0 $0xF7A, s2;
	p2 =	seq.s32 @!p0 s5, $0x0  }
0x1f: {  	s9 =	smul.u32 $0xF7A, s1;
	s8 =	simm.s32 @!p0 $0x1BF5;
	p2 =	por !p2, p0  }
0x20: {  	[sflag:s8] =	ssyncset.s32 @!p0 $0xFFFFF086;
	s6 =	sadd.s32 @!p0 s3, s7;
	s7 =	simm.s32 @!p0 $0x108  }
0x21: {  	s3 =	sadd.s32 s3, s9;
	s6 =	sadd.s32 @!p0 $0x88, s6;
	s7 =	simm.s32 @p2 $0x1082  }
0x22: {  	[simem:s7], [sflag:s8] =	dma.local @!p0 [hbm:s6], $0xF7A  }
0x23: {  	s9 =	sor.u32 $0xD0000000, s2;
	s6 =	simm.s32 $0x108;
	_ =	swait.ge @!p0 [sflag:s8], $0x0  }
0x24: {  	s3 =	sadd.s32 $0x88, s3;
	s6 =	simm.s32 @!p1 $0x1082;
	[sflag:s4] =	ssyncset.s32 $0xFFFFF086  }
0x25: {  	[simem:s6], [sflag:s4] =	dma.local [hbm:s3], $0xF7A  }
0x26: {  	[smem:$0x3F98] =	sst s1;
	(tag) =	ssettag s2;
	_ =	strace s9  }
0x27: {  	s1 =	sld [smem:$0x3FA8]  }
0x28: {  	s2 =	sld [smem:$0x3FA9]  }
0x29: {  	s4 =	sld [smem:$0x3FAB]  }
0x2a: {  	p0 =	seq.s32 s5, $0x0;
	s5 =	sld [smem:$0x3FAC]  }
0x2b: {  	s6 =	sld [smem:$0x3FAD]  }
0x2c: {  	s7 =	sld [smem:$0x3FAE]  }
0x2d: {  	s3 =	simm.s32 $0x108;
	s8 =	sld [smem:$0x3FAF]  }
0x2e: {  	s3 =	simm.s32 @!p0 $0x1082;
	s9 =	sld [smem:$0x3FB0]  }
0x2f: {  	lr =	sadd.s32 s0, s3;
	s0 =	sld [smem:$0x3FA7]  }
0x30: {  	s3 =	sld [smem:$0x3FAA]  }
0x31: {  	[smem:$0x3FB3] =	sst s10  }
0x32: {  	s10 =	sld [smem:$0x3FB1];
	_ =	sdelay $0x3  }
0x33: {  	p0 =	seq.s32 s10, $0x1;
	s10 =	sld [smem:$0x3FB3];
	_ =	sdelay $0x3  }
0x34: {  	[smem:$0x3FB3] =	sst s10  }
0x35: {  	s10 =	sld [smem:$0x3FB2];
	_ =	sdelay $0x3  }
0x36: {  	p1 =	seq.s32 s10, $0x1;
	s10 =	sld [smem:$0x3FB3];
	_ =	sdelay $0x3  }
0x37: {  	[smem:$0x3FB3] =	sst s10  }
0x38: {  	s10 =	sld [smem:$0x3FB4]  }
0x39: {  	_ = 	snop;
	(pc) =	sbr.ind lr, $3  }
0x3a: {  	_ = 	snop  }
0x3b: {  	_ = 	snop  }
0x3c: {  	p2 =	seq.s32 s10, $0x1;
	s10 =	sld [smem:$0x3FB3]  }
0x3d: {  	_ =	shalt  }
0x3e: {  	_ =	shalt  }
0x3f: {  	_ =	shalt  }
0x40: {  	_ =	shalt  }
0x41: {  	_ =	shalt  }
0x42: {  	_ =	shalt  }
0x43: {  	_ =	shalt  }
0x44: {  	_ =	shalt  }
0x45: {  	_ =	shalt  }
0x46: {  	_ =	shalt  }
0x47: {  	_ =	shalt  }
0x48: {  	_ =	shalt  }
0x49: {  	_ =	shalt  }
0x4a: {  	_ =	shalt  }
0x4b: {  	_ =	shalt  }
0x4c: {  	_ =	shalt  }
0x4d: {  	_ =	shalt  }
0x4e: {  	_ =	shalt  }
0x4f: {  	_ =	shalt  }
0x50: {  	_ =	shalt  }
0x51: {  	_ =	shalt  }
0x52: {  	_ =	shalt  }
0x53: {  	_ =	shalt  }
0x54: {  	_ =	shalt  }
0x55: {  	_ =	shalt  }
0x56: {  	_ =	shalt  }
0x57: {  	_ =	shalt  }
0x58: {  	_ =	shalt  }
0x59: {  	_ =	shalt  }
0x5a: {  	_ =	shalt  }
0x5b: {  	_ =	shalt  }
0x5c: {  	_ =	shalt  }
0x5d: {  	_ =	shalt  }
0x5e: {  	_ =	shalt  }
0x5f: {  	_ =	shalt  }
0x60: {  	_ =	shalt  }
0x61: {  	_ =	shalt  }
0x62: {  	_ =	shalt  }
0x63: {  	_ =	shalt  }
0x64: {  	_ =	shalt  }
0x65: {  	_ =	shalt  }
0x66: {  	_ =	shalt  }
0x67: {  	_ =	shalt  }
0x68: {  	_ =	shalt  }
0x69: {  	_ =	shalt  }
0x6a: {  	_ =	shalt  }
0x6b: {  	_ =	shalt  }
0x6c: {  	_ =	shalt  }
0x6d: {  	_ =	shalt  }
0x6e: {  	_ =	shalt  }
0x6f: {  	_ =	shalt  }
0x70: {  	_ =	shalt  }
0x71: {  	_ =	shalt  }
0x72: {  	_ =	shalt  }
0x73: {  	_ =	shalt  }
0x74: {  	_ =	shalt  }
0x75: {  	_ =	shalt  }
0x76: {  	_ =	shalt  }
0x77: {  	_ =	shalt  }
0x78: {  	_ =	shalt  }
0x79: {  	_ =	shalt  }
0x7a: {  	_ =	shalt  }
0x7b: {  	_ =	shalt  }
0x7c: {  	_ =	shalt  }
0x7d: {  	_ =	shalt  }
0x7e: {  	_ =	shalt  }
0x7f: {  	_ =	shalt  }
0x80: {  	_ =	shalt  }
0x81: {  	_ =	shalt  }
0x82: {  	_ =	shalt  }
0x83: {  	_ =	shalt  }
0x84: {  	_ =	shalt  }
0x85: {  	_ =	shalt  }
0x86: {  	_ =	shalt  }
0x87: {  	_ =	shalt  }
.Lfunc_end0:
.L_simem_size_0:
called_computation.1_lowered:
.L_overlay_start_0:
0x88: {  	s2 =	sld [smem:$0x3FD9]  }
0x89: {  	s3 =	sld [smem:$0x3FFE];
	_ =	sdelay $0x1  }
0x8a: {  	s1 =	srdreg.scid  }
0x8b: {  	s0 =	sand.u32 $0x1, s1  }
0x8c: {  	s16 =	sshll.u32 s0, $0xA;
	s2 =	sadd.s32 s3, s2  }
0x8d: {  	s2 =	sadd.s32 s2, s16  }
0x8e: {  	[smem:$0x3FBF] =	sst s2  }
0x8f: {  	_ = 	snop  }
0x90: {  	(tm) =	ssettm $0x1  }
0x91: {  	s17 =	sld [smem:$0x3FFB];
	_ =	sdelay $0x3  }
0x92: {  	_ =	strace s17  }
0x93: {  	s2 =	sld [smem:$0x3FFC];
	_ =	sdelay $0x3  }
0x94: {  	_ =	strace s2  }
0x95: {  	s2 =	sld [smem:$0x3FFD];
	_ =	sdelay $0x3  }
0x96: {  	_ =	strace s2  }
0x97: {  	_ =	strace $0x8FFFFFFF  }
0x98: {  	s18 =	sld [smem:$0x3FDB];
	_ =	sdelay $0x1  }
0x99: {  	s19 =	simm.s32 $_scs_section_size  }
0x9a: {  	s4 =	simm.s32 $_size__tile_overlayer_lowered;
	s5 =	simm.s32 $_tile_overlayer_lowered  }
0x9b: {  	s22 =	simm.s32 $0x1BFF;
	s21 =	sshll.u32 s5, $0x1;
	s2 =	sadd.s32 s19, s18  }
0x9c: {  	s6 =	simm.s32 $0x0;
	s20 =	sshll.u32 s4, $0x1;
	s4 =	sadd.s32 s21, s2  }
0x9d: {  	[timem:s6], [sflag:s22] =	dma.local [hbm:s4], s20  }
0x9e: {  	_ =	swait.ge [sflag:s22], s20  }
0x9f: {  	s3 =	ssub.s32 $0x0, s20;
	[sflag:s22] =	ssyncset.done $0x0  }
0xa0: {  	[sflag:s22] =	ssyncadd.s32 s3;
	_ =	sdelay $0x1  }
0xa1: {  	s23 =	simm.s32 $0x1B8B  }
0xa2: {  	_ =	swait.ge [sflag:s23], $0x1  }
0xa3: {  	[sflag:s23] =	ssyncset.done $0x0  }
0xa4: {  	s25 =	simm.s32 $0x1B8E;
	s24 =	sld [smem:$0x3FFE];
	[sflag:s23] =	ssyncadd.s32 $0xFFFFFFFF  }
0xa5: {  	s26 =	simm.s32 $execute0_lowered;
	[smem:$0x3FD2] =	sst s25  }
0xa6: {  	s4 =	sshll.u32 s26, $0x1;
	_ =	strace $0x80000049;
	[dreg:$0x1] =	wrdreg $0xFFFFFFFF  }
0xa7: {  	s28 =	simm.s32 $_size_execute0_lowered;
	s2 =	sadd.s32 s2, s4;
	[dreg:$0x0] =	wrdreg $0x0  }
0xa8: {  	s4 =	sshll.u32 s28, $0x1;
	[dreg:$0x2] =	wrdreg s2  }
0xa9: {  	[dreg:$0x3] =	wrdreg s4  }
0xaa: {  	[dreg:$0x4] =	wrdreg $0xC0  }
0xab: {  	_ =	task [dreg:s6], $0x5FFFF  }
0xac: {  	[dreg:$0x1] =	wrdreg $0xFFFFFFFF  }
0xad: {  	[dreg:$0x0] =	wrdreg $0x60  }
0xae: {  	[dreg:$0x2] =	wrdreg s24  }
0xaf: {  	[dreg:$0x3] =	wrdreg $0xA9000  }
0xb0: {  	[dreg:$0x4] =	wrdreg $0x9  }
0xb1: {  	_ =	task.clear_ibuf [dreg:s6], $0x5FFFF;
	_ =	strace $0x90000049  }
0xb2: {  	s29 =	simm.s32 $0x9;
	_ =	strace $0x8000004B  }
0xb3: {  	_ =	swait.ge [sflag:s29], $0x1  }
0xb4: {  	[sflag:s29] =	ssyncadd.s32 $0xFFFFFFFF  }
0xb5: {  	_ =	strace $0x9000004B  }
0xb6: {  	_ =	sfence  }
0xb7: {  	s30 =	sld [smem:$0x0];
	_ =	sdelay $0x2  }
0xb8: {  	s31 =	sshll.u32 s1, $0xD;
	s1 =	sshrl.u32 s1, $0x2  }
0xb9: {  	s3 =	sand.u32 $0x4000, s31;
	s1 =	sadd.s32 s1, s30  }
0xba: {  	s0 =	sor.u32 s3, s0;
	s1 =	sshll.u32 s1, $0x11  }
0xbb: {  	s0 =	sor.u32 s1, s0  }
0xbc: {  	s0 =	sadd.s32 $0x8F2B, s0  }
0xbd: {  	[sflag:s0] =	ssyncadd.remote.s32 $0x1  }
0xbe: {  	_ =	sfence.sel $0xFFFF  }
0xbf: {  	[dreg:$0x0] =	wrdreg $0xFFFFFFFF;
	(pc) =	sbr.abs _section_cstart, $3  }
0xc0: {  	[dreg:$0x1] =	wrdreg $0xFFFFFFFF  }
0xc1: {  	_ =	task.clear_ibuf [dreg:s6], $0x2FFFF;
	_ =	strace $0x9FFFFFFF  }
0xc2: {  	(tm) =	ssettm $0x7FFFFFFF  }
0xc3: {  	_ =	shalt  }
tec
execute0_lowered:
.L_overlay_start_1:
0x0: {  	(tag) =	ssettag $0x1  }
0x1: {  	s0 =	srdreg.scid;
	s8 =	rddreg [dreg:$0x0]  }
0x2: {  	s12 =	stileid.u32;
	s2 =	rddreg [dreg:$0x1];
	s4 =	simm.s32 $0x0  }
0x3: {  	s17 =	simm.s32 $0x5;
	s19 =	simm.s32 $0x80;
	s20 =	simm.s32 $0x1  }
0x4: {  	s21 =	simm.s32 $0x100;
	s22 =	simm.s32 $0x2;
	s23 =	simm.s32 $0x4100  }
0x5: {  	s24 =	simm.s32 $0x3;
	s30 =	simm.s32 $0xA880;
	s31 =	simm.s32 $0x0  }
0x6: {  	s0 =	sand.u32 $0x1, s0;
	s1 =	sshll.u32 s12, $0x1;
	[smem:$0x7FF] =	sst s4  }
0x7: {  	s7 =	smul.u32 $0x14000, s12;
	s5 =	sadd.s32 $0xF200, s8;
	s6 =	sadd.s32 $0x5FA00, s8  }
0x8: {  	s11 =	smul.u32 $0x50000, s12;
	s29 =	sshll.u32 s12, $0x6;
	s1 =	sor.u32 s0, s1  }
0x9: {  	s25 =	smul.u32 $0x140000, s0;
	_ =	strace $0x8000004A;
	s0 =	ssub.s32 $0x2, s0  }
0xa: {  	s3 =	smul.u32 $0x2800, s1;
	s26 =	sshrl.u32 s0, $0x1;
	s28 =	sshrl.u32 s11, $0x2  }
0xb: {  	s1 =	sadd.s32 s7, s25;
	s7 =	sadd.s32 $0xCA00, s8;
	s0 =	ssub.s32 s0, s26  }
0xc: {  	s16 =	sadd.s32 s28, s2;
	s25 =	simm.s32 $0x4;
	s9 =	sshrl.u32 s3, $0x3  }
0xd: {  	s1 =	sshrl.u32 s1, $0x3;
	s13 =	smax.u32 s0, $0x1;
	s16 =	sshrl.u32 s16, $0x3  }
0xe: {  	s10 =	sadd.s32 s9, s8;
	s1 =	sadd.s32 s1, s8;
	s9 =	sadd.s32 s6, s9  }
0xf: {  	s8 =	sor.u32 $0x1C05, s29;
	s10 =	sadd.s32 $0x2A00, s10;
	s11 =	sadd.s32 $0x10, s9  }
0x10: {  	s12 =	sadd.s32 $0x69A00, s1;
	s14 =	sadd.s32 $0x4F0, s9;
	s15 =	sadd.s32 $0x4E0, s9  }
.LBB2_1:
0x11: {  	[spmem:s16], [sflag:s8] =	dma.local [hbm:s7], $0x2800  }
0x12: {  	_ =	swait.ge [sflag:s17], $0x2800  }
0x13: {  	[sflag:s17] =	ssyncset.done $0x0  }
0x14: {  	s0 =	simm.s32 $0x8100;
	[sflag:s17] =	ssyncadd.s32 $0xFFFFD800  }
0x15: {  	[tilespmem:s0], [sflag:$0x5] =	stream.linear.gather [hbm4b:s10+s4], $0x2800, $0x38;
	[tilespmem:$0x1E900] =	vst v63  }
0x16: {  	_ =	swait.ge [sflag:s17], $0x2800  }
0x17: {  	[sflag:s17] =	ssyncset.done $0x0  }
0x18: {  	[sflag:s17] =	ssyncadd.s32 $0xFFFFD800  }
0x19: {  	[tilespmem:s4], [sflag:$0x1] =	stream.linear.gather [hbm4b:s9+s4], $0x80, $0x38;
	[tilespmem:$0x1E900] =	vst v63  }
0x1a: {  	_ = 	snop  }
0x1b: {  	[tilespmem:s19], [sflag:$0x2] =	stream.linear.gather [hbm4b:s11+s4], $0x80, $0x38;
	[tilespmem:$0x1E900] =	vst v63  }
0x1c: {  	[bflag:$0x0] =	sbarrier.arrive $0xFFFF  }
0x1d: {  	_ =	swait.ge [sflag:s20], $0x80  }
0x1e: {  	[sflag:s20] =	ssyncset.done $0x0  }
0x1f: {  	[sflag:s20] =	ssyncadd.s32 $0xFFFFFF80  }
0x20: {  	[tilespmem:s21], [sflag:$0x3] =	stream.indirect.gather [hbm4b:s5+s19], $0x80, s4, s19, $0xb8;
	[tilespmem:$0x1E900] =	vst v63  }
0x21: {  	_ =	swait.ge [sflag:s22], $0x80  }
0x22: {  	[sflag:s22] =	ssyncset.done $0x0  }
0x23: {  	[sflag:s22] =	ssyncadd.s32 $0xFFFFFF80  }
0x24: {  	[tilespmem:s23], [sflag:$0x4] =	stream.indirect.gather [hbm4b:s5+s19], $0x80, s19, s19, $0xb8;
	[tilespmem:$0x1E900] =	vst v63  }
0x25: {  	s26 =	simm.s32 $0x100;
	_ =	swait.ge [sflag:s24], $0x4000  }
0x26: {  	s1 =	simm.s32 $0x8100;
	s18 =	sand.u32 $0x7C00, s26;
	[sflag:s24] =	ssyncset.done $0x0  }
0x27: {  	s18 =	sadd.s32 s3, s18;
	s0 =	sand.u32 $0x300, s26;
	[sflag:s24] =	ssyncadd.s32 $0xFFFFC000  }
0x28: {  	[spmem:s2] =	stream.indirect.scatter.add.f32 [tilespmem:s21], [sflag:$0x5], $0x80, s1, s19, $0xb8;
	[tilespmem:$0x1E900] =	vst v63  }
0x29: {  	s0 =	sor.u32 s0, s18;
	_ =	swait.ge [sflag:s17], $0x4000  }
0x2a: {  	s0 =	sshrl.u32 s0, $0x3;
	[sflag:s17] =	ssyncset.done $0x0  }
0x2b: {  	s0 =	sadd.s32 s6, s0;
	[sflag:s17] =	ssyncadd.s32 $0xFFFFC000  }
0x2c: {  	[tilespmem:s4], [sflag:$0x1] =	stream.linear.gather [hbm4b:s0+s4], $0x80, $0x38;
	[tilespmem:$0x1E900] =	vst v63  }
0x2d: {  	_ =	swait.ge [sflag:s20], $0x80  }
0x2e: {  	[sflag:s20] =	ssyncset.done $0x0  }
0x2f: {  	s28 =	simm.s32 $0x180;
	[sflag:s20] =	ssyncadd.s32 $0xFFFFFF80  }
0x30: {  	[tilespmem:s21], [sflag:$0x3] =	stream.indirect.gather [hbm4b:s5+s19], $0x80, s4, s19, $0xb8;
	[tilespmem:$0x1E900] =	vst v63  }
0x31: {  	s29 =	sand.u32 $0x7C00, s28;
	_ =	swait.ge [sflag:s25], $0x4000  }
0x32: {  	s18 =	sadd.s32 s3, s29;
	[sflag:s25] =	ssyncset.done $0x0  }
0x33: {  	s1 =	simm.s32 $0x8180;
	s0 =	sand.u32 $0x380, s28;
	[sflag:s25] =	ssyncadd.s32 $0xFFFFC000  }
0x34: {  	[spmem:s2] =	stream.indirect.scatter.add.f32 [tilespmem:s23], [sflag:$0x5], $0x80, s1, s19, $0xb8;
	[tilespmem:$0x1E900] =	vst v63  }
0x35: {  	s18 =	sor.u32 s0, s18;
	_ =	swait.ge [sflag:s17], $0x4000  }
0x36: {  	s0 =	simm.s32 $0x280;
	s18 =	sshrl.u32 s18, $0x3;
	[sflag:s17] =	ssyncset.done $0x0  }
.LBB2_2:
0x37: {  	[sflag:s17] =	ssyncadd.s32 $0xFFFFC000  }
0x38: {  	s18 =	sadd.s32 s6, s18;
	s1 =	sadd.s32 $0x100, s1;
	s26 =	smov.u32 s0  }
0x39: {  	[tilespmem:s19], [sflag:$0x2] =	stream.linear.gather [hbm4b:s18+s4], $0x80, $0x38;
	[tilespmem:$0x1E900] =	vst v63  }
0x3a: {  	p0 =	sne.s32 s0, $0x2680;
	s0 =	sadd.s32 $0x100, s0;
	_ =	swait.ge [sflag:s22], $0x80  }
0x3b: {  	[sflag:s22] =	ssyncset.done $0x0  }
0x3c: {  	[sflag:s22] =	ssyncadd.s32 $0xFFFFFF80  }
0x3d: {  	[tilespmem:s23], [sflag:$0x4] =	stream.indirect.gather [hbm4b:s5+s19], $0x80, s19, s19, $0xb8;
	[tilespmem:$0x1E900] =	vst v63  }
0x3e: {  	s18 =	sadd.s32 $0xFFFFFF80, s26;
	_ =	swait.ge [sflag:s24], $0x4000  }
0x3f: {  	s28 =	sadd.s32 $0xFFFFFF80, s1;
	s29 =	sand.u32 $0x7C00, s18;
	[sflag:s24] =	ssyncset.done $0x0  }
0x40: {  	s18 =	sand.u32 $0x300, s18;
	s29 =	sadd.s32 s3, s29;
	[sflag:s24] =	ssyncadd.s32 $0xFFFFC000  }
0x41: {  	[spmem:s2] =	stream.indirect.scatter.add.f32 [tilespmem:s21], [sflag:$0x5], $0x80, s28, s19, $0xb8;
	[tilespmem:$0x1E900] =	vst v63  }
0x42: {  	s18 =	sor.u32 s18, s29;
	_ =	swait.ge [sflag:s17], $0x4000  }
0x43: {  	s18 =	sshrl.u32 s18, $0x3;
	[sflag:s17] =	ssyncset.done $0x0  }
0x44: {  	s18 =	sadd.s32 s6, s18;
	[sflag:s17] =	ssyncadd.s32 $0xFFFFC000  }
0x45: {  	[tilespmem:s4], [sflag:$0x1] =	stream.linear.gather [hbm4b:s18+s4], $0x80, $0x38;
	[tilespmem:$0x1E900] =	vst v63  }
0x46: {  	_ =	swait.ge [sflag:s20], $0x80  }
0x47: {  	[sflag:s20] =	ssyncset.done $0x0  }
0x48: {  	[sflag:s20] =	ssyncadd.s32 $0xFFFFFF80  }
0x49: {  	[tilespmem:s21], [sflag:$0x3] =	stream.indirect.gather [hbm4b:s5+s19], $0x80, s4, s19, $0xb8;
	[tilespmem:$0x1E900] =	vst v63  }
0x4a: {  	_ =	swait.ge [sflag:s25], $0x4000  }
.Ltmp0:
0x4b: {  	s18 =	sand.u32 $0x7C00, s26;
	[sflag:s25] =	ssyncset.done $0x0;
	(pc) =	sbr.rel @p0 .LBB2_2-.Ltmp0, $4  }
0x4c: {  	s26 =	sand.u32 $0x380, s26;
	s18 =	sadd.s32 s3, s18;
	[sflag:s25] =	ssyncadd.s32 $0xFFFFC000  }
0x4d: {  	[spmem:s2] =	stream.indirect.scatter.add.f32 [tilespmem:s23], [sflag:$0x5], $0x80, s1, s19, $0xb8;
	[tilespmem:$0x1E900] =	vst v63  }
0x4e: {  	s18 =	sor.u32 s26, s18;
	_ =	swait.ge [sflag:s17], $0x4000  }
0x4f: {  	s18 =	sshrl.u32 s18, $0x3;
	[sflag:s17] =	ssyncset.done $0x0  }
0x50: {  	[sflag:s17] =	ssyncadd.s32 $0xFFFFC000;
	s0 =	sadd.s32 s6, s18  }
0x51: {  	[tilespmem:s19], [sflag:$0x2] =	stream.linear.gather [hbm4b:s0+s4], $0x80, $0x38;
	[tilespmem:$0x1E900] =	vst v63  }
0x52: {  	_ =	swait.ge [sflag:s22], $0x80  }
0x53: {  	[sflag:s22] =	ssyncset.done $0x0  }
0x54: {  	[sflag:s22] =	ssyncadd.s32 $0xFFFFFF80  }
0x55: {  	[tilespmem:s23], [sflag:$0x4] =	stream.indirect.gather [hbm4b:s5+s19], $0x80, s19, s19, $0xb8;
	[tilespmem:$0x1E900] =	vst v63  }
0x56: {  	_ =	swait.ge [sflag:s24], $0x4000  }
0x57: {  	[sflag:s24] =	ssyncset.done $0x0  }
0x58: {  	s26 =	simm.s32 $0xA700;
	[sflag:s24] =	ssyncadd.s32 $0xFFFFC000  }
0x59: {  	[spmem:s2] =	stream.indirect.scatter.add.f32 [tilespmem:s21], [sflag:$0x5], $0x80, s26, s19, $0xb8;
	[tilespmem:$0x1E900] =	vst v63  }
0x5a: {  	_ =	swait.ge [sflag:s17], $0x4000  }
0x5b: {  	[sflag:s17] =	ssyncset.done $0x0  }
0x5c: {  	[sflag:s17] =	ssyncadd.s32 $0xFFFFC000  }
0x5d: {  	[tilespmem:s4], [sflag:$0x1] =	stream.linear.gather [hbm4b:s15+s4], $0x80, $0x38;
	[tilespmem:$0x1E900] =	vst v63  }
0x5e: {  	_ =	swait.ge [sflag:s20], $0x80  }
0x5f: {  	[sflag:s20] =	ssyncset.done $0x0  }
0x60: {  	[sflag:s20] =	ssyncadd.s32 $0xFFFFFF80  }
0x61: {  	[tilespmem:s21], [sflag:$0x3] =	stream.indirect.gather [hbm4b:s5+s19], $0x80, s4, s19, $0xb8;
	[tilespmem:$0x1E900] =	vst v63  }
0x62: {  	_ =	swait.ge [sflag:s25], $0x4000  }
0x63: {  	[sflag:s25] =	ssyncset.done $0x0  }
0x64: {  	s28 =	simm.s32 $0xA780;
	[sflag:s25] =	ssyncadd.s32 $0xFFFFC000  }
0x65: {  	[spmem:s2] =	stream.indirect.scatter.add.f32 [tilespmem:s23], [sflag:$0x5], $0x80, s28, s19, $0xb8;
	[tilespmem:$0x1E900] =	vst v63  }
0x66: {  	_ =	swait.ge [sflag:s17], $0x4000  }
0x67: {  	[sflag:s17] =	ssyncset.done $0x0  }
0x68: {  	[sflag:s17] =	ssyncadd.s32 $0xFFFFC000  }
0x69: {  	[tilespmem:s19], [sflag:$0x2] =	stream.linear.gather [hbm4b:s14+s4], $0x80, $0x38;
	[tilespmem:$0x1E900] =	vst v63  }
0x6a: {  	_ =	swait.ge [sflag:s22], $0x80  }
0x6b: {  	[sflag:s22] =	ssyncset.done $0x0  }
0x6c: {  	[sflag:s22] =	ssyncadd.s32 $0xFFFFFF80  }
0x6d: {  	[tilespmem:s23], [sflag:$0x4] =	stream.indirect.gather [hbm4b:s5+s19], $0x80, s19, s19, $0xb8;
	[tilespmem:$0x1E900] =	vst v63  }
0x6e: {  	_ =	swait.ge [sflag:s24], $0x4000  }
0x6f: {  	[sflag:s24] =	ssyncset.done $0x0  }
0x70: {  	s29 =	simm.s32 $0xA800;
	[sflag:s24] =	ssyncadd.s32 $0xFFFFC000  }
0x71: {  	[spmem:s2] =	stream.indirect.scatter.add.f32 [tilespmem:s21], [sflag:$0x5], $0x80, s29, s19, $0xb8;
	[tilespmem:$0x1E900] =	vst v63  }
0x72: {  	_ =	swait.ge [sflag:s17], $0x4000  }
0x73: {  	[sflag:s17] =	ssyncset.done $0x0  }
0x74: {  	[sflag:s17] =	ssyncadd.s32 $0xFFFFC000  }
0x75: {  	[tilespmem:s4], [sflag:$0x1] =	stream.linear.gather [hbm4b:s14+s4], $0x80, $0x38;
	[tilespmem:$0x1E900] =	vst v63  }
0x76: {  	_ =	swait.ge [sflag:s20], $0x80  }
0x77: {  	[sflag:s20] =	ssyncset.done $0x0  }
0x78: {  	[sflag:s20] =	ssyncadd.s32 $0xFFFFFF80  }
0x79: {  	[tilespmem:s21], [sflag:$0x3] =	stream.indirect.gather [hbm4b:s5+s19], $0x80, s4, s19, $0xb8;
	[tilespmem:$0x1E900] =	vst v63  }
0x7a: {  	_ =	swait.ge [sflag:s25], $0x4000  }
0x7b: {  	[sflag:s25] =	ssyncset.done $0x0  }
0x7c: {  	[sflag:s25] =	ssyncadd.s32 $0xFFFFC000  }
0x7d: {  	[spmem:s2] =	stream.indirect.scatter.add.f32 [tilespmem:s23], [sflag:$0x5], $0x80, s30, s19, $0xb8;
	[tilespmem:$0x1E900] =	vst v63  }
0x7e: {  	_ =	swait.ge [sflag:s17], $0x4000  }
0x7f: {  	[sflag:s17] =	ssyncset.done $0x0  }
0x80: {  	[sflag:s17] =	ssyncadd.s32 $0xFFFFC000  }
0x81: {  	[tilespmem:s19], [sflag:$0x2] =	stream.linear.gather [hbm4b:s14+s4], $0x80, $0x38;
	[tilespmem:$0x1E900] =	vst v63  }
0x82: {  	_ =	swait.ge [sflag:s24], $0x4000  }
0x83: {  	[sflag:s24] =	ssyncset.done $0x0  }
0x84: {  	[sflag:s24] =	ssyncadd.s32 $0xFFFFC000  }
0x85: {  	_ =	swait.ge [sflag:s22], $0x80  }
0x86: {  	s31 =	sadd.s32 $0x1, s31;
	[sflag:s22] =	ssyncset.done $0x0  }
0x87: {  	p0 =	sne.s32 s31, s13;
	[sflag:s22] =	ssyncadd.s32 $0xFFFFFF80  }
.Ltmp1:
0x88: {  	[bflag:$0x0] =	sbarrier.arrive $0xFFFF;
	(pc) =	sbr.rel @p0 .LBB2_1-.Ltmp1, $4  }
0x89: {  	[hbm:s12], [sflag:s8] =	dma.local [spmem:s16], $0x2800  }
0x8a: {  	_ =	swait.ge [sflag:s17], $0x2800  }
0x8b: {  	[sflag:s17] =	ssyncset.done $0x0  }
0x8c: {  	[sflag:s17] =	ssyncadd.s32 $0xFFFFD800  }
0x8d: {  	_ =	sfence.sel $0x180000  }
0x8e: {  	[bflag:$0x0] =	sbarrier.arrive $0xFFFF  }
0x8f: {  	_ =	strace $0x9000004A  }
0x90: {  	s0 =	stileid.u32;
	[bflag:$0x2] =	sbarrier.arrive $0xFFFF  }
0x91: {  	p0 =	sne.s32 s0, $0x0;
	s0 =	rddreg [dreg:$0x2]  }
0x92: {  	s0 =	sadd.s32 @!p0 $0x100000, s0  }
0x93: {  	[sflag:s0] =	ssyncadd.tile.s32 @!p0 $0x1;
	_ =	shalt  }
.Lfunc_end2:
_tile_overlayer_lowered:
.L_overlay_start_2:
0x94: {  	(tag) =	ssettag $0x2  }
0x95: {  	s0 =	rddreg [dreg:$0x0];
	s2 =	stileid.u32  }
0x96: {  	s1 =	rddreg [dreg:$0x1];
	p0 =	sne.s32 s2, $0x0  }
0x97: {  	s3 =	rddreg [dreg:$0x2];
	[bflag:$0x3] =	sbarrier.arrive $0xFFFF;
	s2 =	simm.s32 @!p0 $0x1C05  }
0x98: {  	[timem:s3], [sflag:s2] =	dma.local @!p0 [hbm:s0], s1  }
0x99: {  	s0 =	simm.s32 @!p0 $0x5  }
0x9a: {  	_ =	swait.ge @!p0 [sflag:s0], s1  }
0x9b: {  	s1 =	ssub.s32 @!p0 $0x0, s1;
	[sflag:s0] =	ssyncset.done @!p0 $0x0  }
0x9c: {  	[sflag:s0] =	ssyncadd.s32 @!p0 s1  }
0x9d: {  	[bflag:$0x3] =	sbarrier.arrive $0xFFFF  }
0x9e: {  	_ =	shalt  }

// kernel: kernel.15.cloned.1.call-start
scs
__scs_entry_jumppad:
0x0: {  	(pc) =	sbr.rel $0x88, $3  }
0x1: {  	(tag) =	ssettag $0x0;
	lr =	simm.s32 $0x1  }
0x2: {  	[smem:$0x3F98] =	sst lr;
	_ =	strace $0xD0000000  }
0x3: {  	_ = 	snop  }
0x4: {  	_ = 	snop  }
0x5: {  	_ = 	snop  }
0x6: {  	_ = 	snop  }
0x7: {  	_ = 	snop  }
__scs_overlays_trampoline_lowered:
0x8: {  	[smem:$0x3FA7] =	sst s0  }
0x9: {  	[smem:$0x3FA8] =	sst s1  }
0xa: {  	[smem:$0x3FA9] =	sst s2  }
0xb: {  	[smem:$0x3FAA] =	sst s3  }
0xc: {  	[smem:$0x3FAB] =	sst s4  }
0xd: {  	[smem:$0x3FAC] =	sst s5  }
0xe: {  	[smem:$0x3FAD] =	sst s6  }
0xf: {  	[smem:$0x3FAE] =	sst s7  }
0x10: {  	[smem:$0x3FAF] =	sst s8  }
0x11: {  	[smem:$0x3FB0] =	sst s9;
	s0 =	simm.s32 @!p0 $0x0  }
0x12: {  	s1 =	sld [smem:$0x3F96];
	s0 =	simm.s32 @p0 $0x1  }
0x13: {  	[smem:$0x3FB1] =	sst s0;
	s0 =	simm.s32 @!p1 $0x0  }
0x14: {  	s2 =	sld [smem:$0x3F95];
	s0 =	simm.s32 @p1 $0x1  }
0x15: {  	[smem:$0x3FB2] =	sst s0;
	s0 =	simm.s32 @!p2 $0x0  }
0x16: {  	s3 =	sld [smem:$0x3FDB];
	s0 =	simm.s32 @p2 $0x1  }
0x17: {  	s4 =	simm.s32 $0x1BF5;
	[smem:$0x3FB4] =	sst s0  }
0x18: {  	s0 =	sld [smem:$0x3F97];
	_ =	swait.ge [sflag:s4], $0x0  }
0x19: {  	s7 =	sld [smem:$0x3F98]  }
0x1a: {  	s8 =	sadd.s32 $0xFFFFE003, lr  }
0x1b: {  	s9 =	sadd.s32 $0xFFFFFEF7, lr;
	s5 =	simm.s32 $0xFFFFFFFF;
	p2 =	slt.u32 s8, $0xFFFFF086  }
0x1c: {  	p1 =	slt.u32 s9, $0xF7A;
	s5 =	simm.s32 @!p2 $0x0  }
0x1d: {  	s5 =	simm.s32 @p1 $0x1;
	p0 =	seq.s32 s7, s2  }
0x1e: {  	s7 =	smul.u32 @!p0 $0xF7A, s2;
	p2 =	seq.s32 @!p0 s5, $0x0  }
0x1f: {  	s9 =	smul.u32 $0xF7A, s1;
	s8 =	simm.s32 @!p0 $0x1BF5;
	p2 =	por !p2, p0  }
0x20: {  	[sflag:s8] =	ssyncset.s32 @!p0 $0xFFFFF086;
	s6 =	sadd.s32 @!p0 s3, s7;
	s7 =	simm.s32 @!p0 $0x108  }
0x21: {  	s3 =	sadd.s32 s3, s9;
	s6 =	sadd.s32 @!p0 $0x88, s6;
	s7 =	simm.s32 @p2 $0x1082  }
0x22: {  	[simem:s7], [sflag:s8] =	dma.local @!p0 [hbm:s6], $0xF7A  }
0x23: {  	s9 =	sor.u32 $0xD0000000, s2;
	s6 =	simm.s32 $0x108;
	_ =	swait.ge @!p0 [sflag:s8], $0x0  }
0x24: {  	s3 =	sadd.s32 $0x88, s3;
	s6 =	simm.s32 @!p1 $0x1082;
	[sflag:s4] =	ssyncset.s32 $0xFFFFF086  }
0x25: {  	[simem:s6], [sflag:s4] =	dma.local [hbm:s3], $0xF7A  }
0x26: {  	[smem:$0x3F98] =	sst s1;
	(tag) =	ssettag s2;
	_ =	strace s9  }
0x27: {  	s1 =	sld [smem:$0x3FA8]  }
0x28: {  	s2 =	sld [smem:$0x3FA9]  }
0x29: {  	s4 =	sld [smem:$0x3FAB]  }
0x2a: {  	p0 =	seq.s32 s5, $0x0;
	s5 =	sld [smem:$0x3FAC]  }
0x2b: {  	s6 =	sld [smem:$0x3FAD]  }
0x2c: {  	s7 =	sld [smem:$0x3FAE]  }
0x2d: {  	s3 =	simm.s32 $0x108;
	s8 =	sld [smem:$0x3FAF]  }
0x2e: {  	s3 =	simm.s32 @!p0 $0x1082;
	s9 =	sld [smem:$0x3FB0]  }
0x2f: {  	lr =	sadd.s32 s0, s3;
	s0 =	sld [smem:$0x3FA7]  }
0x30: {  	s3 =	sld [smem:$0x3FAA]  }
0x31: {  	[smem:$0x3FB3] =	sst s10  }
0x32: {  	s10 =	sld [smem:$0x3FB1];
	_ =	sdelay $0x3  }
0x33: {  	p0 =	seq.s32 s10, $0x1;
	s10 =	sld [smem:$0x3FB3];
	_ =	sdelay $0x3  }
0x34: {  	[smem:$0x3FB3] =	sst s10  }
0x35: {  	s10 =	sld [smem:$0x3FB2];
	_ =	sdelay $0x3  }
0x36: {  	p1 =	seq.s32 s10, $0x1;
	s10 =	sld [smem:$0x3FB3];
	_ =	sdelay $0x3  }
0x37: {  	[smem:$0x3FB3] =	sst s10  }
0x38: {  	s10 =	sld [smem:$0x3FB4]  }
0x39: {  	_ = 	snop;
	(pc) =	sbr.ind lr, $3  }
0x3a: {  	_ = 	snop  }
0x3b: {  	_ = 	snop  }
0x3c: {  	p2 =	seq.s32 s10, $0x1;
	s10 =	sld [smem:$0x3FB3]  }
0x3d: {  	_ =	shalt  }
0x3e: {  	_ =	shalt  }
0x3f: {  	_ =	shalt  }
0x40: {  	_ =	shalt  }
0x41: {  	_ =	shalt  }
0x42: {  	_ =	shalt  }
0x43: {  	_ =	shalt  }
0x44: {  	_ =	shalt  }
0x45: {  	_ =	shalt  }
0x46: {  	_ =	shalt  }
0x47: {  	_ =	shalt  }
0x48: {  	_ =	shalt  }
0x49: {  	_ =	shalt  }
0x4a: {  	_ =	shalt  }
0x4b: {  	_ =	shalt  }
0x4c: {  	_ =	shalt  }
0x4d: {  	_ =	shalt  }
0x4e: {  	_ =	shalt  }
0x4f: {  	_ =	shalt  }
0x50: {  	_ =	shalt  }
0x51: {  	_ =	shalt  }
0x52: {  	_ =	shalt  }
0x53: {  	_ =	shalt  }
0x54: {  	_ =	shalt  }
0x55: {  	_ =	shalt  }
0x56: {  	_ =	shalt  }
0x57: {  	_ =	shalt  }
0x58: {  	_ =	shalt  }
0x59: {  	_ =	shalt  }
0x5a: {  	_ =	shalt  }
0x5b: {  	_ =	shalt  }
0x5c: {  	_ =	shalt  }
0x5d: {  	_ =	shalt  }
0x5e: {  	_ =	shalt  }
0x5f: {  	_ =	shalt  }
0x60: {  	_ =	shalt  }
0x61: {  	_ =	shalt  }
0x62: {  	_ =	shalt  }
0x63: {  	_ =	shalt  }
0x64: {  	_ =	shalt  }
0x65: {  	_ =	shalt  }
0x66: {  	_ =	shalt  }
0x67: {  	_ =	shalt  }
0x68: {  	_ =	shalt  }
0x69: {  	_ =	shalt  }
0x6a: {  	_ =	shalt  }
0x6b: {  	_ =	shalt  }
0x6c: {  	_ =	shalt  }
0x6d: {  	_ =	shalt  }
0x6e: {  	_ =	shalt  }
0x6f: {  	_ =	shalt  }
0x70: {  	_ =	shalt  }
0x71: {  	_ =	shalt  }
0x72: {  	_ =	shalt  }
0x73: {  	_ =	shalt  }
0x74: {  	_ =	shalt  }
0x75: {  	_ =	shalt  }
0x76: {  	_ =	shalt  }
0x77: {  	_ =	shalt  }
0x78: {  	_ =	shalt  }
0x79: {  	_ =	shalt  }
0x7a: {  	_ =	shalt  }
0x7b: {  	_ =	shalt  }
0x7c: {  	_ =	shalt  }
0x7d: {  	_ =	shalt  }
0x7e: {  	_ =	shalt  }
0x7f: {  	_ =	shalt  }
0x80: {  	_ =	shalt  }
0x81: {  	_ =	shalt  }
0x82: {  	_ =	shalt  }
0x83: {  	_ =	shalt  }
0x84: {  	_ =	shalt  }
0x85: {  	_ =	shalt  }
0x86: {  	_ =	shalt  }
0x87: {  	_ =	shalt  }
.Lfunc_end0:
.L_simem_size_0:
called_computation.2_lowered:
.L_overlay_start_0:
0x88: {  	s2 =	sld [smem:$0x3FD9]  }
0x89: {  	s3 =	sld [smem:$0x3FFE];
	_ =	sdelay $0x1  }
0x8a: {  	s1 =	srdreg.scid  }
0x8b: {  	s0 =	sand.u32 $0x1, s1  }
0x8c: {  	s16 =	sshll.u32 s0, $0xA;
	s2 =	sadd.s32 s3, s2  }
0x8d: {  	s2 =	sadd.s32 s2, s16  }
0x8e: {  	[smem:$0x3FBF] =	sst s2  }
0x8f: {  	_ = 	snop  }
0x90: {  	(tm) =	ssettm $0x1  }
0x91: {  	s17 =	sld [smem:$0x3FFB];
	_ =	sdelay $0x3  }
0x92: {  	_ =	strace s17  }
0x93: {  	s2 =	sld [smem:$0x3FFC];
	_ =	sdelay $0x3  }
0x94: {  	_ =	strace s2  }
0x95: {  	s2 =	sld [smem:$0x3FFD];
	_ =	sdelay $0x3  }
0x96: {  	_ =	strace s2  }
0x97: {  	_ =	strace $0x8FFFFFFF  }
0x98: {  	s18 =	sld [smem:$0x3FDB];
	_ =	sdelay $0x1  }
0x99: {  	s19 =	simm.s32 $_scs_section_size  }
0x9a: {  	s4 =	simm.s32 $_size__tile_overlayer_lowered;
	s5 =	simm.s32 $_tile_overlayer_lowered  }
0x9b: {  	s22 =	simm.s32 $0x1BFF;
	s21 =	sshll.u32 s5, $0x1;
	s2 =	sadd.s32 s19, s18  }
0x9c: {  	s6 =	simm.s32 $0x0;
	s20 =	sshll.u32 s4, $0x1;
	s4 =	sadd.s32 s21, s2  }
0x9d: {  	[timem:s6], [sflag:s22] =	dma.local [hbm:s4], s20  }
0x9e: {  	_ =	swait.ge [sflag:s22], s20  }
0x9f: {  	s3 =	ssub.s32 $0x0, s20;
	[sflag:s22] =	ssyncset.done $0x0  }
0xa0: {  	[sflag:s22] =	ssyncadd.s32 s3;
	_ =	sdelay $0x1  }
0xa1: {  	s23 =	simm.s32 $0x1B8B  }
0xa2: {  	_ =	swait.ge [sflag:s23], $0x1  }
0xa3: {  	[sflag:s23] =	ssyncset.done $0x0  }
0xa4: {  	s25 =	simm.s32 $0x1B8E;
	s24 =	sld [smem:$0x3FFE];
	[sflag:s23] =	ssyncadd.s32 $0xFFFFFFFF  }
0xa5: {  	s26 =	simm.s32 $execute0_lowered;
	[smem:$0x3FD2] =	sst s25  }
0xa6: {  	s4 =	sshll.u32 s26, $0x1;
	_ =	strace $0x8000004C;
	[dreg:$0x1] =	wrdreg $0xFFFFFFFF  }
0xa7: {  	s28 =	simm.s32 $_size_execute0_lowered;
	s2 =	sadd.s32 s2, s4;
	[dreg:$0x0] =	wrdreg $0x0  }
0xa8: {  	s4 =	sshll.u32 s28, $0x1;
	[dreg:$0x2] =	wrdreg s2  }
0xa9: {  	[dreg:$0x3] =	wrdreg s4  }
0xaa: {  	[dreg:$0x4] =	wrdreg $0xC0  }
0xab: {  	_ =	task [dreg:s6], $0x5FFFF  }
0xac: {  	[dreg:$0x1] =	wrdreg $0xFFFFFFFF  }
0xad: {  	[dreg:$0x0] =	wrdreg $0x60  }
0xae: {  	[dreg:$0x2] =	wrdreg s24  }
0xaf: {  	[dreg:$0x3] =	wrdreg $0xA9000  }
0xb0: {  	[dreg:$0x4] =	wrdreg $0x9  }
0xb1: {  	_ =	task.clear_ibuf [dreg:s6], $0x5FFFF;
	_ =	strace $0x9000004C  }
0xb2: {  	s29 =	simm.s32 $0x9;
	_ =	strace $0x8000004E  }
0xb3: {  	_ =	swait.ge [sflag:s29], $0x1  }
0xb4: {  	[sflag:s29] =	ssyncadd.s32 $0xFFFFFFFF  }
0xb5: {  	_ =	strace $0x9000004E  }
0xb6: {  	_ =	sfence  }
0xb7: {  	s30 =	sld [smem:$0x0];
	_ =	sdelay $0x2  }
0xb8: {  	s31 =	sshll.u32 s1, $0xD;
	s1 =	sshrl.u32 s1, $0x2  }
0xb9: {  	s3 =	sand.u32 $0x4000, s31;
	s1 =	sadd.s32 s1, s30  }
0xba: {  	s0 =	sor.u32 s3, s0;
	s1 =	sshll.u32 s1, $0x11  }
0xbb: {  	s0 =	sor.u32 s1, s0  }
0xbc: {  	s0 =	sadd.s32 $0x8F2B, s0  }
0xbd: {  	[sflag:s0] =	ssyncadd.remote.s32 $0x1  }
0xbe: {  	_ =	sfence.sel $0xFFFF  }
0xbf: {  	[dreg:$0x0] =	wrdreg $0xFFFFFFFF;
	(pc) =	sbr.abs _section_cstart, $3  }
0xc0: {  	[dreg:$0x1] =	wrdreg $0xFFFFFFFF  }
0xc1: {  	_ =	task.clear_ibuf [dreg:s6], $0x2FFFF;
	_ =	strace $0x9FFFFFFF  }
0xc2: {  	(tm) =	ssettm $0x7FFFFFFF  }
0xc3: {  	_ =	shalt  }
tec
execute0_lowered:
.L_overlay_start_1:
0x0: {  	(tag) =	ssettag $0x1  }
0x1: {  	s0 =	srdreg.scid;
	s8 =	rddreg [dreg:$0x0]  }
0x2: {  	s12 =	stileid.u32;
	s2 =	rddreg [dreg:$0x1];
	s4 =	simm.s32 $0x0  }
0x3: {  	s17 =	simm.s32 $0x5;
	s19 =	simm.s32 $0x80;
	s20 =	simm.s32 $0x1  }
0x4: {  	s21 =	simm.s32 $0x100;
	s22 =	simm.s32 $0x2;
	s23 =	simm.s32 $0x4100  }
0x5: {  	s24 =	simm.s32 $0x3;
	s30 =	simm.s32 $0xA880;
	s31 =	simm.s32 $0x0  }
0x6: {  	s0 =	sand.u32 $0x1, s0;
	s1 =	sshll.u32 s12, $0x1;
	[smem:$0x7FF] =	sst s4  }
0x7: {  	s7 =	smul.u32 $0x14000, s12;
	s5 =	sadd.s32 $0xF200, s8;
	s6 =	sadd.s32 $0x5FA00, s8  }
0x8: {  	s11 =	smul.u32 $0x50000, s12;
	s29 =	sshll.u32 s12, $0x6;
	s1 =	sor.u32 s0, s1  }
0x9: {  	s25 =	smul.u32 $0x140000, s0;
	_ =	strace $0x8000004D;
	s0 =	ssub.s32 $0x2, s0  }
0xa: {  	s3 =	smul.u32 $0x2800, s1;
	s26 =	sshrl.u32 s0, $0x1;
	s28 =	sshrl.u32 s11, $0x2  }
0xb: {  	s1 =	sadd.s32 s7, s25;
	s7 =	sadd.s32 $0xCA00, s8;
	s0 =	ssub.s32 s0, s26  }
0xc: {  	s16 =	sadd.s32 s28, s2;
	s25 =	simm.s32 $0x4;
	s9 =	sshrl.u32 s3, $0x3  }
0xd: {  	s1 =	sshrl.u32 s1, $0x3;
	s13 =	smax.u32 s0, $0x1;
	s16 =	sshrl.u32 s16, $0x3  }
0xe: {  	s10 =	sadd.s32 s9, s8;
	s1 =	sadd.s32 s1, s8;
	s9 =	sadd.s32 s6, s9  }
0xf: {  	s8 =	sor.u32 $0x1C05, s29;
	s10 =	sadd.s32 $0x2A00, s10;
	s11 =	sadd.s32 $0x10, s9  }
0x10: {  	s12 =	sadd.s32 $0x69A00, s1;
	s14 =	sadd.s32 $0x4F0, s9;
	s15 =	sadd.s32 $0x4E0, s9  }
.LBB2_1:
0x11: {  	[spmem:s16], [sflag:s8] =	dma.local [hbm:s7], $0x2800  }
0x12: {  	_ =	swait.ge [sflag:s17], $0x2800  }
0x13: {  	[sflag:s17] =	ssyncset.done $0x0  }
0x14: {  	s0 =	simm.s32 $0x8100;
	[sflag:s17] =	ssyncadd.s32 $0xFFFFD800  }
0x15: {  	[tilespmem:s0], [sflag:$0x5] =	stream.linear.gather [hbm4b:s10+s4], $0x2800, $0x38;
	[tilespmem:$0x1E900] =	vst v63  }
0x16: {  	_ =	swait.ge [sflag:s17], $0x2800  }
0x17: {  	[sflag:s17] =	ssyncset.done $0x0  }
0x18: {  	[sflag:s17] =	ssyncadd.s32 $0xFFFFD800  }
0x19: {  	[tilespmem:s4], [sflag:$0x1] =	stream.linear.gather [hbm4b:s9+s4], $0x80, $0x38;
	[tilespmem:$0x1E900] =	vst v63  }
0x1a: {  	_ = 	snop  }
0x1b: {  	[tilespmem:s19], [sflag:$0x2] =	stream.linear.gather [hbm4b:s11+s4], $0x80, $0x38;
	[tilespmem:$0x1E900] =	vst v63  }
0x1c: {  	[bflag:$0x0] =	sbarrier.arrive $0xFFFF  }
0x1d: {  	_ =	swait.ge [sflag:s20], $0x80  }
0x1e: {  	[sflag:s20] =	ssyncset.done $0x0  }
0x1f: {  	[sflag:s20] =	ssyncadd.s32 $0xFFFFFF80  }
0x20: {  	[tilespmem:s21], [sflag:$0x3] =	stream.indirect.gather [hbm4b:s5+s19], $0x80, s4, s19, $0xb8;
	[tilespmem:$0x1E900] =	vst v63  }
0x21: {  	_ =	swait.ge [sflag:s22], $0x80  }
0x22: {  	[sflag:s22] =	ssyncset.done $0x0  }
0x23: {  	[sflag:s22] =	ssyncadd.s32 $0xFFFFFF80  }
0x24: {  	[tilespmem:s23], [sflag:$0x4] =	stream.indirect.gather [hbm4b:s5+s19], $0x80, s19, s19, $0xb8;
	[tilespmem:$0x1E900] =	vst v63  }
0x25: {  	s26 =	simm.s32 $0x100;
	_ =	swait.ge [sflag:s24], $0x4000  }
0x26: {  	s1 =	simm.s32 $0x8100;
	s18 =	sand.u32 $0x7C00, s26;
	[sflag:s24] =	ssyncset.done $0x0  }
0x27: {  	s18 =	sadd.s32 s3, s18;
	s0 =	sand.u32 $0x300, s26;
	[sflag:s24] =	ssyncadd.s32 $0xFFFFC000  }
0x28: {  	[spmem:s2] =	stream.indirect.scatter.add.f32 [tilespmem:s21], [sflag:$0x5], $0x80, s1, s19, $0xb8;
	[tilespmem:$0x1E900] =	vst v63  }
0x29: {  	s0 =	sor.u32 s0, s18;
	_ =	swait.ge [sflag:s17], $0x4000  }
0x2a: {  	s0 =	sshrl.u32 s0, $0x3;
	[sflag:s17] =	ssyncset.done $0x0  }
0x2b: {  	s0 =	sadd.s32 s6, s0;
	[sflag:s17] =	ssyncadd.s32 $0xFFFFC000  }
0x2c: {  	[tilespmem:s4], [sflag:$0x1] =	stream.linear.gather [hbm4b:s0+s4], $0x80, $0x38;
	[tilespmem:$0x1E900] =	vst v63  }
0x2d: {  	_ =	swait.ge [sflag:s20], $0x80  }
0x2e: {  	[sflag:s20] =	ssyncset.done $0x0  }
0x2f: {  	s28 =	simm.s32 $0x180;
	[sflag:s20] =	ssyncadd.s32 $0xFFFFFF80  }
0x30: {  	[tilespmem:s21], [sflag:$0x3] =	stream.indirect.gather [hbm4b:s5+s19], $0x80, s4, s19, $0xb8;
	[tilespmem:$0x1E900] =	vst v63  }
0x31: {  	s29 =	sand.u32 $0x7C00, s28;
	_ =	swait.ge [sflag:s25], $0x4000  }
0x32: {  	s18 =	sadd.s32 s3, s29;
	[sflag:s25] =	ssyncset.done $0x0  }
0x33: {  	s1 =	simm.s32 $0x8180;
	s0 =	sand.u32 $0x380, s28;
	[sflag:s25] =	ssyncadd.s32 $0xFFFFC000  }
0x34: {  	[spmem:s2] =	stream.indirect.scatter.add.f32 [tilespmem:s23], [sflag:$0x5], $0x80, s1, s19, $0xb8;
	[tilespmem:$0x1E900] =	vst v63  }
0x35: {  	s18 =	sor.u32 s0, s18;
	_ =	swait.ge [sflag:s17], $0x4000  }
0x36: {  	s0 =	simm.s32 $0x280;
	s18 =	sshrl.u32 s18, $0x3;
	[sflag:s17] =	ssyncset.done $0x0  }
.LBB2_2:
0x37: {  	[sflag:s17] =	ssyncadd.s32 $0xFFFFC000  }
0x38: {  	s18 =	sadd.s32 s6, s18;
	s1 =	sadd.s32 $0x100, s1;
	s26 =	smov.u32 s0  }
0x39: {  	[tilespmem:s19], [sflag:$0x2] =	stream.linear.gather [hbm4b:s18+s4], $0x80, $0x38;
	[tilespmem:$0x1E900] =	vst v63  }
0x3a: {  	p0 =	sne.s32 s0, $0x2680;
	s0 =	sadd.s32 $0x100, s0;
	_ =	swait.ge [sflag:s22], $0x80  }
0x3b: {  	[sflag:s22] =	ssyncset.done $0x0  }
0x3c: {  	[sflag:s22] =	ssyncadd.s32 $0xFFFFFF80  }
0x3d: {  	[tilespmem:s23], [sflag:$0x4] =	stream.indirect.gather [hbm4b:s5+s19], $0x80, s19, s19, $0xb8;
	[tilespmem:$0x1E900] =	vst v63  }
0x3e: {  	s18 =	sadd.s32 $0xFFFFFF80, s26;
	_ =	swait.ge [sflag:s24], $0x4000  }
0x3f: {  	s28 =	sadd.s32 $0xFFFFFF80, s1;
	s29 =	sand.u32 $0x7C00, s18;
	[sflag:s24] =	ssyncset.done $0x0  }
0x40: {  	s18 =	sand.u32 $0x300, s18;
	s29 =	sadd.s32 s3, s29;
	[sflag:s24] =	ssyncadd.s32 $0xFFFFC000  }
0x41: {  	[spmem:s2] =	stream.indirect.scatter.add.f32 [tilespmem:s21], [sflag:$0x5], $0x80, s28, s19, $0xb8;
	[tilespmem:$0x1E900] =	vst v63  }
0x42: {  	s18 =	sor.u32 s18, s29;
	_ =	swait.ge [sflag:s17], $0x4000  }
0x43: {  	s18 =	sshrl.u32 s18, $0x3;
	[sflag:s17] =	ssyncset.done $0x0  }
0x44: {  	s18 =	sadd.s32 s6, s18;
	[sflag:s17] =	ssyncadd.s32 $0xFFFFC000  }
0x45: {  	[tilespmem:s4], [sflag:$0x1] =	stream.linear.gather [hbm4b:s18+s4], $0x80, $0x38;
	[tilespmem:$0x1E900] =	vst v63  }
0x46: {  	_ =	swait.ge [sflag:s20], $0x80  }
0x47: {  	[sflag:s20] =	ssyncset.done $0x0  }
0x48: {  	[sflag:s20] =	ssyncadd.s32 $0xFFFFFF80  }
0x49: {  	[tilespmem:s21], [sflag:$0x3] =	stream.indirect.gather [hbm4b:s5+s19], $0x80, s4, s19, $0xb8;
	[tilespmem:$0x1E900] =	vst v63  }
0x4a: {  	_ =	swait.ge [sflag:s25], $0x4000  }
.Ltmp0:
0x4b: {  	s18 =	sand.u32 $0x7C00, s26;
	[sflag:s25] =	ssyncset.done $0x0;
	(pc) =	sbr.rel @p0 .LBB2_2-.Ltmp0, $4  }
0x4c: {  	s26 =	sand.u32 $0x380, s26;
	s18 =	sadd.s32 s3, s18;
	[sflag:s25] =	ssyncadd.s32 $0xFFFFC000  }
0x4d: {  	[spmem:s2] =	stream.indirect.scatter.add.f32 [tilespmem:s23], [sflag:$0x5], $0x80, s1, s19, $0xb8;
	[tilespmem:$0x1E900] =	vst v63  }
0x4e: {  	s18 =	sor.u32 s26, s18;
	_ =	swait.ge [sflag:s17], $0x4000  }
0x4f: {  	s18 =	sshrl.u32 s18, $0x3;
	[sflag:s17] =	ssyncset.done $0x0  }
0x50: {  	[sflag:s17] =	ssyncadd.s32 $0xFFFFC000;
	s0 =	sadd.s32 s6, s18  }
0x51: {  	[tilespmem:s19], [sflag:$0x2] =	stream.linear.gather [hbm4b:s0+s4], $0x80, $0x38;
	[tilespmem:$0x1E900] =	vst v63  }
0x52: {  	_ =	swait.ge [sflag:s22], $0x80  }
0x53: {  	[sflag:s22] =	ssyncset.done $0x0  }
0x54: {  	[sflag:s22] =	ssyncadd.s32 $0xFFFFFF80  }
0x55: {  	[tilespmem:s23], [sflag:$0x4] =	stream.indirect.gather [hbm4b:s5+s19], $0x80, s19, s19, $0xb8;
	[tilespmem:$0x1E900] =	vst v63  }
0x56: {  	_ =	swait.ge [sflag:s24], $0x4000  }
0x57: {  	[sflag:s24] =	ssyncset.done $0x0  }
0x58: {  	s26 =	simm.s32 $0xA700;
	[sflag:s24] =	ssyncadd.s32 $0xFFFFC000  }
0x59: {  	[spmem:s2] =	stream.indirect.scatter.add.f32 [tilespmem:s21], [sflag:$0x5], $0x80, s26, s19, $0xb8;
	[tilespmem:$0x1E900] =	vst v63  }
0x5a: {  	_ =	swait.ge [sflag:s17], $0x4000  }
0x5b: {  	[sflag:s17] =	ssyncset.done $0x0  }
0x5c: {  	[sflag:s17] =	ssyncadd.s32 $0xFFFFC000  }
0x5d: {  	[tilespmem:s4], [sflag:$0x1] =	stream.linear.gather [hbm4b:s15+s4], $0x80, $0x38;
	[tilespmem:$0x1E900] =	vst v63  }
0x5e: {  	_ =	swait.ge [sflag:s20], $0x80  }
0x5f: {  	[sflag:s20] =	ssyncset.done $0x0  }
0x60: {  	[sflag:s20] =	ssyncadd.s32 $0xFFFFFF80  }
0x61: {  	[tilespmem:s21], [sflag:$0x3] =	stream.indirect.gather [hbm4b:s5+s19], $0x80, s4, s19, $0xb8;
	[tilespmem:$0x1E900] =	vst v63  }
0x62: {  	_ =	swait.ge [sflag:s25], $0x4000  }
0x63: {  	[sflag:s25] =	ssyncset.done $0x0  }
0x64: {  	s28 =	simm.s32 $0xA780;
	[sflag:s25] =	ssyncadd.s32 $0xFFFFC000  }
0x65: {  	[spmem:s2] =	stream.indirect.scatter.add.f32 [tilespmem:s23], [sflag:$0x5], $0x80, s28, s19, $0xb8;
	[tilespmem:$0x1E900] =	vst v63  }
0x66: {  	_ =	swait.ge [sflag:s17], $0x4000  }
0x67: {  	[sflag:s17] =	ssyncset.done $0x0  }
0x68: {  	[sflag:s17] =	ssyncadd.s32 $0xFFFFC000  }
0x69: {  	[tilespmem:s19], [sflag:$0x2] =	stream.linear.gather [hbm4b:s14+s4], $0x80, $0x38;
	[tilespmem:$0x1E900] =	vst v63  }
0x6a: {  	_ =	swait.ge [sflag:s22], $0x80  }
0x6b: {  	[sflag:s22] =	ssyncset.done $0x0  }
0x6c: {  	[sflag:s22] =	ssyncadd.s32 $0xFFFFFF80  }
0x6d: {  	[tilespmem:s23], [sflag:$0x4] =	stream.indirect.gather [hbm4b:s5+s19], $0x80, s19, s19, $0xb8;
	[tilespmem:$0x1E900] =	vst v63  }
0x6e: {  	_ =	swait.ge [sflag:s24], $0x4000  }
0x6f: {  	[sflag:s24] =	ssyncset.done $0x0  }
0x70: {  	s29 =	simm.s32 $0xA800;
	[sflag:s24] =	ssyncadd.s32 $0xFFFFC000  }
0x71: {  	[spmem:s2] =	stream.indirect.scatter.add.f32 [tilespmem:s21], [sflag:$0x5], $0x80, s29, s19, $0xb8;
	[tilespmem:$0x1E900] =	vst v63  }
0x72: {  	_ =	swait.ge [sflag:s17], $0x4000  }
0x73: {  	[sflag:s17] =	ssyncset.done $0x0  }
0x74: {  	[sflag:s17] =	ssyncadd.s32 $0xFFFFC000  }
0x75: {  	[tilespmem:s4], [sflag:$0x1] =	stream.linear.gather [hbm4b:s14+s4], $0x80, $0x38;
	[tilespmem:$0x1E900] =	vst v63  }
0x76: {  	_ =	swait.ge [sflag:s20], $0x80  }
0x77: {  	[sflag:s20] =	ssyncset.done $0x0  }
0x78: {  	[sflag:s20] =	ssyncadd.s32 $0xFFFFFF80  }
0x79: {  	[tilespmem:s21], [sflag:$0x3] =	stream.indirect.gather [hbm4b:s5+s19], $0x80, s4, s19, $0xb8;
	[tilespmem:$0x1E900] =	vst v63  }
0x7a: {  	_ =	swait.ge [sflag:s25], $0x4000  }
0x7b: {  	[sflag:s25] =	ssyncset.done $0x0  }
0x7c: {  	[sflag:s25] =	ssyncadd.s32 $0xFFFFC000  }
0x7d: {  	[spmem:s2] =	stream.indirect.scatter.add.f32 [tilespmem:s23], [sflag:$0x5], $0x80, s30, s19, $0xb8;
	[tilespmem:$0x1E900] =	vst v63  }
0x7e: {  	_ =	swait.ge [sflag:s17], $0x4000  }
0x7f: {  	[sflag:s17] =	ssyncset.done $0x0  }
0x80: {  	[sflag:s17] =	ssyncadd.s32 $0xFFFFC000  }
0x81: {  	[tilespmem:s19], [sflag:$0x2] =	stream.linear.gather [hbm4b:s14+s4], $0x80, $0x38;
	[tilespmem:$0x1E900] =	vst v63  }
0x82: {  	_ =	swait.ge [sflag:s24], $0x4000  }
0x83: {  	[sflag:s24] =	ssyncset.done $0x0  }
0x84: {  	[sflag:s24] =	ssyncadd.s32 $0xFFFFC000  }
0x85: {  	_ =	swait.ge [sflag:s22], $0x80  }
0x86: {  	s31 =	sadd.s32 $0x1, s31;
	[sflag:s22] =	ssyncset.done $0x0  }
0x87: {  	p0 =	sne.s32 s31, s13;
	[sflag:s22] =	ssyncadd.s32 $0xFFFFFF80  }
.Ltmp1:
0x88: {  	[bflag:$0x0] =	sbarrier.arrive $0xFFFF;
	(pc) =	sbr.rel @p0 .LBB2_1-.Ltmp1, $4  }
0x89: {  	[hbm:s12], [sflag:s8] =	dma.local [spmem:s16], $0x2800  }
0x8a: {  	_ =	swait.ge [sflag:s17], $0x2800  }
0x8b: {  	[sflag:s17] =	ssyncset.done $0x0  }
0x8c: {  	[sflag:s17] =	ssyncadd.s32 $0xFFFFD800  }
0x8d: {  	_ =	sfence.sel $0x180000  }
0x8e: {  	[bflag:$0x0] =	sbarrier.arrive $0xFFFF  }
0x8f: {  	_ =	strace $0x9000004D  }
0x90: {  	s0 =	stileid.u32;
	[bflag:$0x2] =	sbarrier.arrive $0xFFFF  }
0x91: {  	p0 =	sne.s32 s0, $0x0;
	s0 =	rddreg [dreg:$0x2]  }
0x92: {  	s0 =	sadd.s32 @!p0 $0x100000, s0  }
0x93: {  	[sflag:s0] =	ssyncadd.tile.s32 @!p0 $0x1;
	_ =	shalt  }
.Lfunc_end2:
_tile_overlayer_lowered:
.L_overlay_start_2:
0x94: {  	(tag) =	ssettag $0x2  }
0x95: {  	s0 =	rddreg [dreg:$0x0];
	s2 =	stileid.u32  }
0x96: {  	s1 =	rddreg [dreg:$0x1];
	p0 =	sne.s32 s2, $0x0  }
0x97: {  	s3 =	rddreg [dreg:$0x2];
	[bflag:$0x3] =	sbarrier.arrive $0xFFFF;
	s2 =	simm.s32 @!p0 $0x1C05  }
0x98: {  	[timem:s3], [sflag:s2] =	dma.local @!p0 [hbm:s0], s1  }
0x99: {  	s0 =	simm.s32 @!p0 $0x5  }
0x9a: {  	_ =	swait.ge @!p0 [sflag:s0], s1  }
0x9b: {  	s1 =	ssub.s32 @!p0 $0x0, s1;
	[sflag:s0] =	ssyncset.done @!p0 $0x0  }
0x9c: {  	[sflag:s0] =	ssyncadd.s32 @!p0 s1  }
0x9d: {  	[bflag:$0x3] =	sbarrier.arrive $0xFFFF  }
0x9e: {  	_ =	shalt  }

// kernel: kernel.9.cloned.1.call-start
scs
__scs_entry_jumppad:
0x0: {  	(pc) =	sbr.rel $0x88, $3  }
0x1: {  	(tag) =	ssettag $0x0;
	lr =	simm.s32 $0x1  }
0x2: {  	[smem:$0x3F98] =	sst lr;
	_ =	strace $0xD0000000  }
0x3: {  	_ = 	snop  }
0x4: {  	_ = 	snop  }
0x5: {  	_ = 	snop  }
0x6: {  	_ = 	snop  }
0x7: {  	_ = 	snop  }
__scs_overlays_trampoline_lowered:
0x8: {  	[smem:$0x3FA7] =	sst s0  }
0x9: {  	[smem:$0x3FA8] =	sst s1  }
0xa: {  	[smem:$0x3FA9] =	sst s2  }
0xb: {  	[smem:$0x3FAA] =	sst s3  }
0xc: {  	[smem:$0x3FAB] =	sst s4  }
0xd: {  	[smem:$0x3FAC] =	sst s5  }
0xe: {  	[smem:$0x3FAD] =	sst s6  }
0xf: {  	[smem:$0x3FAE] =	sst s7  }
0x10: {  	[smem:$0x3FAF] =	sst s8  }
0x11: {  	[smem:$0x3FB0] =	sst s9;
	s0 =	simm.s32 @!p0 $0x0  }
0x12: {  	s1 =	sld [smem:$0x3F96];
	s0 =	simm.s32 @p0 $0x1  }
0x13: {  	[smem:$0x3FB1] =	sst s0;
	s0 =	simm.s32 @!p1 $0x0  }
0x14: {  	s2 =	sld [smem:$0x3F95];
	s0 =	simm.s32 @p1 $0x1  }
0x15: {  	[smem:$0x3FB2] =	sst s0;
	s0 =	simm.s32 @!p2 $0x0  }
0x16: {  	s3 =	sld [smem:$0x3FDB];
	s0 =	simm.s32 @p2 $0x1  }
0x17: {  	s4 =	simm.s32 $0x1BF5;
	[smem:$0x3FB4] =	sst s0  }
0x18: {  	s0 =	sld [smem:$0x3F97];
	_ =	swait.ge [sflag:s4], $0x0  }
0x19: {  	s7 =	sld [smem:$0x3F98]  }
0x1a: {  	s8 =	sadd.s32 $0xFFFFE003, lr  }
0x1b: {  	s9 =	sadd.s32 $0xFFFFFEF7, lr;
	s5 =	simm.s32 $0xFFFFFFFF;
	p2 =	slt.u32 s8, $0xFFFFF086  }
0x1c: {  	p1 =	slt.u32 s9, $0xF7A;
	s5 =	simm.s32 @!p2 $0x0  }
0x1d: {  	s5 =	simm.s32 @p1 $0x1;
	p0 =	seq.s32 s7, s2  }
0x1e: {  	s7 =	smul.u32 @!p0 $0xF7A, s2;
	p2 =	seq.s32 @!p0 s5, $0x0  }
0x1f: {  	s9 =	smul.u32 $0xF7A, s1;
	s8 =	simm.s32 @!p0 $0x1BF5;
	p2 =	por !p2, p0  }
0x20: {  	[sflag:s8] =	ssyncset.s32 @!p0 $0xFFFFF086;
	s6 =	sadd.s32 @!p0 s3, s7;
	s7 =	simm.s32 @!p0 $0x108  }
0x21: {  	s3 =	sadd.s32 s3, s9;
	s6 =	sadd.s32 @!p0 $0x88, s6;
	s7 =	simm.s32 @p2 $0x1082  }
0x22: {  	[simem:s7], [sflag:s8] =	dma.local @!p0 [hbm:s6], $0xF7A  }
0x23: {  	s9 =	sor.u32 $0xD0000000, s2;
	s6 =	simm.s32 $0x108;
	_ =	swait.ge @!p0 [sflag:s8], $0x0  }
0x24: {  	s3 =	sadd.s32 $0x88, s3;
	s6 =	simm.s32 @!p1 $0x1082;
	[sflag:s4] =	ssyncset.s32 $0xFFFFF086  }
0x25: {  	[simem:s6], [sflag:s4] =	dma.local [hbm:s3], $0xF7A  }
0x26: {  	[smem:$0x3F98] =	sst s1;
	(tag) =	ssettag s2;
	_ =	strace s9  }
0x27: {  	s1 =	sld [smem:$0x3FA8]  }
0x28: {  	s2 =	sld [smem:$0x3FA9]  }
0x29: {  	s4 =	sld [smem:$0x3FAB]  }
0x2a: {  	p0 =	seq.s32 s5, $0x0;
	s5 =	sld [smem:$0x3FAC]  }
0x2b: {  	s6 =	sld [smem:$0x3FAD]  }
0x2c: {  	s7 =	sld [smem:$0x3FAE]  }
0x2d: {  	s3 =	simm.s32 $0x108;
	s8 =	sld [smem:$0x3FAF]  }
0x2e: {  	s3 =	simm.s32 @!p0 $0x1082;
	s9 =	sld [smem:$0x3FB0]  }
0x2f: {  	lr =	sadd.s32 s0, s3;
	s0 =	sld [smem:$0x3FA7]  }
0x30: {  	s3 =	sld [smem:$0x3FAA]  }
0x31: {  	[smem:$0x3FB3] =	sst s10  }
0x32: {  	s10 =	sld [smem:$0x3FB1];
	_ =	sdelay $0x3  }
0x33: {  	p0 =	seq.s32 s10, $0x1;
	s10 =	sld [smem:$0x3FB3];
	_ =	sdelay $0x3  }
0x34: {  	[smem:$0x3FB3] =	sst s10  }
0x35: {  	s10 =	sld [smem:$0x3FB2];
	_ =	sdelay $0x3  }
0x36: {  	p1 =	seq.s32 s10, $0x1;
	s10 =	sld [smem:$0x3FB3];
	_ =	sdelay $0x3  }
0x37: {  	[smem:$0x3FB3] =	sst s10  }
0x38: {  	s10 =	sld [smem:$0x3FB4]  }
0x39: {  	_ = 	snop;
	(pc) =	sbr.ind lr, $3  }
0x3a: {  	_ = 	snop  }
0x3b: {  	_ = 	snop  }
0x3c: {  	p2 =	seq.s32 s10, $0x1;
	s10 =	sld [smem:$0x3FB3]  }
0x3d: {  	_ =	shalt  }
0x3e: {  	_ =	shalt  }
0x3f: {  	_ =	shalt  }
0x40: {  	_ =	shalt  }
0x41: {  	_ =	shalt  }
0x42: {  	_ =	shalt  }
0x43: {  	_ =	shalt  }
0x44: {  	_ =	shalt  }
0x45: {  	_ =	shalt  }
0x46: {  	_ =	shalt  }
0x47: {  	_ =	shalt  }
0x48: {  	_ =	shalt  }
0x49: {  	_ =	shalt  }
0x4a: {  	_ =	shalt  }
0x4b: {  	_ =	shalt  }
0x4c: {  	_ =	shalt  }
0x4d: {  	_ =	shalt  }
0x4e: {  	_ =	shalt  }
0x4f: {  	_ =	shalt  }
0x50: {  	_ =	shalt  }
0x51: {  	_ =	shalt  }
0x52: {  	_ =	shalt  }
0x53: {  	_ =	shalt  }
0x54: {  	_ =	shalt  }
0x55: {  	_ =	shalt  }
0x56: {  	_ =	shalt  }
0x57: {  	_ =	shalt  }
0x58: {  	_ =	shalt  }
0x59: {  	_ =	shalt  }
0x5a: {  	_ =	shalt  }
0x5b: {  	_ =	shalt  }
0x5c: {  	_ =	shalt  }
0x5d: {  	_ =	shalt  }
0x5e: {  	_ =	shalt  }
0x5f: {  	_ =	shalt  }
0x60: {  	_ =	shalt  }
0x61: {  	_ =	shalt  }
0x62: {  	_ =	shalt  }
0x63: {  	_ =	shalt  }
0x64: {  	_ =	shalt  }
0x65: {  	_ =	shalt  }
0x66: {  	_ =	shalt  }
0x67: {  	_ =	shalt  }
0x68: {  	_ =	shalt  }
0x69: {  	_ =	shalt  }
0x6a: {  	_ =	shalt  }
0x6b: {  	_ =	shalt  }
0x6c: {  	_ =	shalt  }
0x6d: {  	_ =	shalt  }
0x6e: {  	_ =	shalt  }
0x6f: {  	_ =	shalt  }
0x70: {  	_ =	shalt  }
0x71: {  	_ =	shalt  }
0x72: {  	_ =	shalt  }
0x73: {  	_ =	shalt  }
0x74: {  	_ =	shalt  }
0x75: {  	_ =	shalt  }
0x76: {  	_ =	shalt  }
0x77: {  	_ =	shalt  }
0x78: {  	_ =	shalt  }
0x79: {  	_ =	shalt  }
0x7a: {  	_ =	shalt  }
0x7b: {  	_ =	shalt  }
0x7c: {  	_ =	shalt  }
0x7d: {  	_ =	shalt  }
0x7e: {  	_ =	shalt  }
0x7f: {  	_ =	shalt  }
0x80: {  	_ =	shalt  }
0x81: {  	_ =	shalt  }
0x82: {  	_ =	shalt  }
0x83: {  	_ =	shalt  }
0x84: {  	_ =	shalt  }
0x85: {  	_ =	shalt  }
0x86: {  	_ =	shalt  }
0x87: {  	_ =	shalt  }
.Lfunc_end0:
.L_simem_size_0:
called_computation_lowered:
.L_overlay_start_0:
0x88: {  	s2 =	sld [smem:$0x3FD9]  }
0x89: {  	s3 =	sld [smem:$0x3FFE];
	_ =	sdelay $0x1  }
0x8a: {  	s1 =	srdreg.scid  }
0x8b: {  	s0 =	sand.u32 $0x1, s1  }
0x8c: {  	s16 =	sshll.u32 s0, $0xA;
	s2 =	sadd.s32 s3, s2  }
0x8d: {  	s2 =	sadd.s32 s2, s16  }
0x8e: {  	[smem:$0x3FBF] =	sst s2  }
0x8f: {  	_ = 	snop  }
0x90: {  	(tm) =	ssettm $0x1  }
0x91: {  	s17 =	sld [smem:$0x3FFB];
	_ =	sdelay $0x3  }
0x92: {  	_ =	strace s17  }
0x93: {  	s2 =	sld [smem:$0x3FFC];
	_ =	sdelay $0x3  }
0x94: {  	_ =	strace s2  }
0x95: {  	s2 =	sld [smem:$0x3FFD];
	_ =	sdelay $0x3  }
0x96: {  	_ =	strace s2  }
0x97: {  	_ =	strace $0x8FFFFFFF  }
0x98: {  	s18 =	sld [smem:$0x3FDB];
	_ =	sdelay $0x1  }
0x99: {  	s19 =	simm.s32 $_scs_section_size  }
0x9a: {  	s4 =	simm.s32 $_size__tile_overlayer_lowered;
	s5 =	simm.s32 $_tile_overlayer_lowered  }
0x9b: {  	s22 =	simm.s32 $0x1BFF;
	s21 =	sshll.u32 s5, $0x1;
	s2 =	sadd.s32 s19, s18  }
0x9c: {  	s6 =	simm.s32 $0x0;
	s20 =	sshll.u32 s4, $0x1;
	s4 =	sadd.s32 s21, s2  }
0x9d: {  	[timem:s6], [sflag:s22] =	dma.local [hbm:s4], s20  }
0x9e: {  	_ =	swait.ge [sflag:s22], s20  }
0x9f: {  	s3 =	ssub.s32 $0x0, s20;
	[sflag:s22] =	ssyncset.done $0x0  }
0xa0: {  	[sflag:s22] =	ssyncadd.s32 s3;
	_ =	sdelay $0x1  }
0xa1: {  	s23 =	simm.s32 $0x1B8B  }
0xa2: {  	_ =	swait.ge [sflag:s23], $0x1  }
0xa3: {  	[sflag:s23] =	ssyncset.done $0x0  }
0xa4: {  	s25 =	simm.s32 $0x1B8E;
	s24 =	sld [smem:$0x3FFE];
	[sflag:s23] =	ssyncadd.s32 $0xFFFFFFFF  }
0xa5: {  	s26 =	simm.s32 $execute0_lowered;
	[smem:$0x3FD2] =	sst s25  }
0xa6: {  	s4 =	sshll.u32 s26, $0x1;
	_ =	strace $0x80000046;
	[dreg:$0x1] =	wrdreg $0xFFFFFFFF  }
0xa7: {  	s28 =	simm.s32 $_size_execute0_lowered;
	s2 =	sadd.s32 s2, s4;
	[dreg:$0x0] =	wrdreg $0x0  }
0xa8: {  	s4 =	sshll.u32 s28, $0x1;
	[dreg:$0x2] =	wrdreg s2  }
0xa9: {  	[dreg:$0x3] =	wrdreg s4  }
0xaa: {  	[dreg:$0x4] =	wrdreg $0xC0  }
0xab: {  	_ =	task [dreg:s6], $0x5FFFF  }
0xac: {  	[dreg:$0x1] =	wrdreg $0xFFFFFFFF  }
0xad: {  	[dreg:$0x0] =	wrdreg $0x60  }
0xae: {  	[dreg:$0x2] =	wrdreg s24  }
0xaf: {  	[dreg:$0x3] =	wrdreg $0x68000  }
0xb0: {  	[dreg:$0x4] =	wrdreg $0x9  }
0xb1: {  	_ =	task.clear_ibuf [dreg:s6], $0x5FFFF;
	_ =	strace $0x90000046  }
0xb2: {  	s29 =	simm.s32 $0x9;
	_ =	strace $0x80000048  }
0xb3: {  	_ =	swait.ge [sflag:s29], $0x1  }
0xb4: {  	[sflag:s29] =	ssyncadd.s32 $0xFFFFFFFF  }
0xb5: {  	_ =	strace $0x90000048  }
0xb6: {  	_ =	sfence  }
0xb7: {  	s30 =	sld [smem:$0x0];
	_ =	sdelay $0x2  }
0xb8: {  	s31 =	sshll.u32 s1, $0xD;
	s1 =	sshrl.u32 s1, $0x2  }
0xb9: {  	s3 =	sand.u32 $0x4000, s31;
	s1 =	sadd.s32 s1, s30  }
0xba: {  	s0 =	sor.u32 s3, s0;
	s1 =	sshll.u32 s1, $0x11  }
0xbb: {  	s0 =	sor.u32 s1, s0  }
0xbc: {  	s0 =	sadd.s32 $0x8F2B, s0  }
0xbd: {  	[sflag:s0] =	ssyncadd.remote.s32 $0x1  }
0xbe: {  	_ =	sfence.sel $0xFFFF  }
0xbf: {  	[dreg:$0x0] =	wrdreg $0xFFFFFFFF;
	(pc) =	sbr.abs _section_cstart, $3  }
0xc0: {  	[dreg:$0x1] =	wrdreg $0xFFFFFFFF  }
0xc1: {  	_ =	task.clear_ibuf [dreg:s6], $0x2FFFF;
	_ =	strace $0x9FFFFFFF  }
0xc2: {  	(tm) =	ssettm $0x7FFFFFFF  }
0xc3: {  	_ =	shalt  }
tec
execute0_lowered:
.L_overlay_start_1:
0x0: {  	(tag) =	ssettag $0x1  }
0x1: {  	s1 =	srdreg.scid  }
0x2: {  	s0 =	stileid.u32;
	s7 =	rddreg [dreg:$0x0]  }
0x3: {  	s2 =	rddreg [dreg:$0x1];
	s3 =	simm.s32 $0x0;
	s12 =	simm.s32 $0x2800  }
0x4: {  	s13 =	simm.s32 $0x80;
	s14 =	simm.s32 $0x0;
	s8 =	smul.u32 $0x14000, s0  }
0x5: {  	s6 =	sand.u32 $0x1, s1;
	s29 =	sshll.u32 s0, $0x1;
	s10 =	smul.u32 $0x50000, s0  }
0x6: {  	[smem:$0x7FF] =	sst s3;
	s1 =	sor.u32 s6, s29;
	s5 =	smul.u32 $0x140000, s6  }
0x7: {  	s31 =	sshll.u32 s0, $0x6;
	s6 =	ssub.s32 $0x2, s6;
	s4 =	smul.u32 $0x500, s1  }
0x8: {  	s1 =	rddreg [dreg:$0x2];
	_ =	strace $0x80000047;
	s30 =	sshrl.u32 s6, $0x1  }
0x9: {  	s10 =	sshrl.u32 s10, $0x2;
	s8 =	sadd.s32 s8, s5;
	s5 =	sadd.s32 $0xCA00, s7  }
0xa: {  	s11 =	ssub.s32 s6, s30;
	s10 =	sadd.s32 s10, s2;
	s6 =	sor.u32 $0x1C01, s31  }
0xb: {  	s9 =	sadd.s32 s4, s7;
	s4 =	sadd.s32 $0xF200, s7;
	s8 =	sshrl.u32 s8, $0x3  }
0xc: {  	s10 =	sshrl.u32 s10, $0x3;
	s8 =	sadd.s32 s8, s7;
	s7 =	sadd.s32 $0x2A00, s9  }
0xd: {  	s9 =	smax.u32 s11, $0x1;
	s11 =	simm.s32 $0x1;
	s8 =	sadd.s32 $0xFA00, s8  }
.LBB2_1:
0xe: {  	[spmem:s10], [sflag:s6] =	dma.local [hbm:s5], $0x2800  }
0xf: {  	_ =	swait.ge [sflag:s11], $0x2800  }
0x10: {  	[sflag:s11] =	ssyncset.done $0x0  }
0x11: {  	[sflag:s11] =	ssyncadd.s32 $0xFFFFD800  }
0x12: {  	[tilespmem:s12], [sflag:$0x1] =	stream.linear.gather [hbm4b:s4+s3], $0x4000, $0x38;
	[tilespmem:$0x1A800] =	vst v63  }
0x13: {  	_ =	swait.ge [sflag:s11], $0x4000  }
0x14: {  	[sflag:s11] =	ssyncset.done $0x0  }
0x15: {  	[sflag:s11] =	ssyncadd.s32 $0xFFFFC000  }
0x16: {  	[tilespmem:s3], [sflag:$0x1] =	stream.linear.gather [hbm4b:s7+s3], $0x2800, $0x38;
	[tilespmem:$0x1A800] =	vst v63  }
0x17: {  	_ =	swait.ge [sflag:s11], $0x2800  }
0x18: {  	[sflag:s11] =	ssyncset.done $0x0  }
0x19: {  	[sflag:s11] =	ssyncadd.s32 $0xFFFFD800  }
0x1a: {  	s15 =	simm.s32 $0x0;
	[bflag:$0x0] =	sbarrier.arrive $0xFFFF  }
0x1b: {  	[spmem:s2] =	stream.indirect.scatter.add.f32 [tilespmem:s12], [sflag:$0x1], $0x80, s15, s13, $0xb8;
	[tilespmem:$0x1A800] =	vst v63  }
0x1c: {  	_ =	swait.ge [sflag:s11], $0x4000  }
0x1d: {  	s15 =	simm.s32 $0x200;
	[sflag:s11] =	ssyncset.done $0x0  }
.LBB2_2:
0x1e: {  	s16 =	sshra.s32 s15, $0x2;
	[sflag:s11] =	ssyncadd.s32 $0xFFFFC000;
	p0 =	sne.s32 s15, $0x9E00  }
0x1f: {  	[spmem:s2] =	stream.indirect.scatter.add.f32 [tilespmem:s12], [sflag:$0x1], $0x80, s16, s13, $0xb8;
	[tilespmem:$0x1A800] =	vst v63  }
.Ltmp0:
0x20: {  	_ = 	snop;
	(pc) =	sbr.rel @p0 .LBB2_2-.Ltmp0, $4  }
0x21: {  	_ = 	snop  }
0x22: {  	s15 =	sadd.s32 $0x200, s15  }
0x23: {  	_ =	swait.ge [sflag:s11], $0x4000  }
0x24: {  	[sflag:s11] =	ssyncset.done $0x0  }
0x25: {  	s14 =	sadd.s32 $0x1, s14  }
0x26: {  	[sflag:s11] =	ssyncadd.s32 $0xFFFFC000;
	p0 =	sne.s32 s14, s9  }
.Ltmp1:
0x27: {  	[bflag:$0x0] =	sbarrier.arrive $0xFFFF;
	(pc) =	sbr.rel @p0 .LBB2_1-.Ltmp1, $4  }
0x28: {  	[hbm:s8], [sflag:s6] =	dma.local [spmem:s10], $0x2800  }
0x29: {  	_ =	swait.ge [sflag:s11], $0x2800  }
0x2a: {  	[sflag:s11] =	ssyncset.done $0x0  }
0x2b: {  	[sflag:s11] =	ssyncadd.s32 $0xFFFFD800  }
0x2c: {  	_ =	sfence.sel $0x180000  }
0x2d: {  	[bflag:$0x0] =	sbarrier.arrive $0xFFFF  }
0x2e: {  	p0 =	sne.s32 s0, $0x0;
	_ =	strace $0x90000047  }
0x2f: {  	s0 =	sadd.s32 @!p0 $0x100000, s1;
	[bflag:$0x2] =	sbarrier.arrive $0xFFFF  }
0x30: {  	[sflag:s0] =	ssyncadd.tile.s32 @!p0 $0x1;
	_ =	shalt  }
.Lfunc_end2:
_tile_overlayer_lowered:
.L_overlay_start_2:
0x31: {  	(tag) =	ssettag $0x2  }
0x32: {  	s0 =	rddreg [dreg:$0x0];
	s2 =	stileid.u32  }
0x33: {  	s1 =	rddreg [dreg:$0x1];
	p0 =	sne.s32 s2, $0x0  }
0x34: {  	s3 =	rddreg [dreg:$0x2];
	[bflag:$0x3] =	sbarrier.arrive $0xFFFF;
	s2 =	simm.s32 @!p0 $0x1C01  }
0x35: {  	[timem:s3], [sflag:s2] =	dma.local @!p0 [hbm:s0], s1  }
0x36: {  	s0 =	simm.s32 @!p0 $0x1  }
0x37: {  	_ =	swait.ge @!p0 [sflag:s0], s1  }
0x38: {  	s1 =	ssub.s32 @!p0 $0x0, s1;
	[sflag:s0] =	ssyncset.done @!p0 $0x0  }
0x39: {  	[sflag:s0] =	ssyncadd.s32 @!p0 s1  }
0x3a: {  	[bflag:$0x3] =	sbarrier.arrive $0xFFFF  }
0x3b: {  	_ =	shalt  }

</sc_bundles>
